<compile_context>
chip_gen: v7x
topology: tpu7x:2x2x1
jax: 0.10.2.dev20260603
libtpu: 0.0.44.dev20260713+nightly
codegen_flags: <defaults>
</compile_context>

<pallas_src>
import functools

import jax
import jax.numpy as jnp
import numpy as np
from jax import lax
from jax.experimental import pallas as pl
from jax.experimental.pallas import tpu as pltpu
from jax.experimental.pallas import tpu_sc as plsc

_B = 16384
_D = 128
_HID = 64
_OUT = 32
_NC = 2
_NS = 16
_NW = _NC * _NS
_CH = 128
_NSLC = 1
_BS = _B // _NSLC
_NCH = _BS // (_NW * _CH)
_BPW = _NCH * _CH


def _gather_body(uemb, iemb, uidx, iidx, urows, irows,
                 idx_u, idx_i, buf_u, buf_v, gsem_u, gsem_i, wsem_u, wsem_i):
    nbuf = min(3, _NCH)
    cid = lax.axis_index("c")
    sid = lax.axis_index("s")
    wid = sid * _NC + cid
    base = wid * _BPW
    pltpu.sync_copy(uidx.at[pl.ds(wid * _NCH, _NCH)], idx_u)
    pltpu.sync_copy(iidx.at[pl.ds(wid * _NCH, _NCH)], idx_i)
    gu = [None] * _NCH
    gi = [None] * _NCH
    wu = [None] * _NCH
    wi = [None] * _NCH
    for c in range(nbuf):
        gu[c] = pltpu.async_copy(uemb.at[idx_u.at[c]], buf_u.at[c], gsem_u[c])
        gi[c] = pltpu.async_copy(iemb.at[idx_i.at[c]], buf_v.at[c], gsem_i[c])
    for c in range(_NCH):
        s = c % nbuf
        gu[c].wait()
        wu[c] = pltpu.async_copy(buf_u.at[s], urows.at[pl.ds(base + c * _CH, _CH)],
                                 wsem_u[s])
        gi[c].wait()
        wi[c] = pltpu.async_copy(buf_v.at[s], irows.at[pl.ds(base + c * _CH, _CH)],
                                 wsem_i[s])
        n = c + 1
        if nbuf <= n < _NCH:
            sn = n % nbuf
            wu[n - nbuf].wait()
            gu[n] = pltpu.async_copy(uemb.at[idx_u.at[n]], buf_u.at[sn], gsem_u[sn])
            wi[n - nbuf].wait()
            gi[n] = pltpu.async_copy(iemb.at[idx_i.at[n]], buf_v.at[sn], gsem_i[sn])
    for c in range(max(0, _NCH - nbuf), _NCH):
        wu[c].wait()
        wi[c].wait()


def _sc_gather(uemb, iemb, uidx, iidx):
    nbuf = min(3, _NCH)
    mesh = plsc.VectorSubcoreMesh(core_axis_name="c", subcore_axis_name="s",
                                  num_cores=_NC, num_subcores=_NS)
    fn = pl.kernel(
        _gather_body,
        out_type=[jax.ShapeDtypeStruct((_BS, _D), jnp.float32),
                  jax.ShapeDtypeStruct((_BS, _D), jnp.float32)],
        mesh=mesh,
        scratch_types=[
            pltpu.VMEM((_NCH, _CH), jnp.int32),
            pltpu.VMEM((_NCH, _CH), jnp.int32),
            pltpu.VMEM((nbuf, _CH, _D), jnp.float32),
            pltpu.VMEM((nbuf, _CH, _D), jnp.float32),
            [pltpu.SemaphoreType.DMA] * nbuf,
            [pltpu.SemaphoreType.DMA] * nbuf,
            [pltpu.SemaphoreType.DMA] * nbuf,
            [pltpu.SemaphoreType.DMA] * nbuf,
        ],
    )
    return fn(uemb, iemb, uidx, iidx)


_BB = 4096


def _mlp_body(ur, ir, w1, b1, w2, b2, hot, grp, ones_r, out):
    x = jnp.concatenate([ur[...], ir[...]], axis=1).astype(jnp.bfloat16)
    h = jnp.maximum(jnp.dot(x, w1[...], preferred_element_type=jnp.float32)
                    + b1[...], 0.0).astype(jnp.bfloat16)
    e = jnp.dot(h, w2[...], preferred_element_type=jnp.float32) + b2[...]
    p = e[:, :_OUT] * e[:, _OUT:]
    r = jnp.dot(p, ones_r[...], preferred_element_type=jnp.float32)
    rm = r * hot[...]
    out[...] = jax.lax.dot_general(
        grp[...], rm, (((0,), (0,)), ((), ())),
        preferred_element_type=jnp.float32)


def _tc_mlp(urows, irows, w1, b1, w2, b2, hot, grp, ones_r):
    grid = (_BS // _BB,)
    full = lambda shape: pl.BlockSpec(shape, lambda b: (0,) * len(shape))
    return pl.pallas_call(
        _mlp_body,
        grid=grid,
        in_specs=[
            pl.BlockSpec((_BB, _D), lambda b: (b, 0)),
            pl.BlockSpec((_BB, _D), lambda b: (b, 0)),
            full((2 * _D, 2 * _HID)),
            full((1, 2 * _HID)),
            full((2 * _HID, 2 * _OUT)),
            full((1, 2 * _OUT)),
            full((_BB, 128)), full((_BB, _BB // 128)), full((_OUT, 128)),
        ],
        out_specs=pl.BlockSpec((_BB // 128, 128), lambda b: (b, 0)),
        out_shape=jax.ShapeDtypeStruct((_BS // 128, 128), jnp.float32),
    )(urows, irows, w1, b1, w2, b2, hot, grp, ones_r)


def kernel(u, i, user_emb, user_W1, user_b1, user_W2, user_b2,
           item_emb, item_W1, item_b1, item_W2, item_b2):
    uidx = u.astype(jnp.int32).reshape(_NSLC, _NW * _NCH, _CH)
    iidx = i.astype(jnp.int32).reshape(_NSLC, _NW * _NCH, _CH)
    z1 = jnp.zeros((_D, _HID), jnp.float32)
    w1 = jnp.block([[user_W1.T, z1], [z1, item_W1.T]]).astype(jnp.bfloat16)
    z2 = jnp.zeros((_HID, _OUT), jnp.float32)
    w2 = jnp.block([[user_W2.T, z2], [z2, item_W2.T]]).astype(jnp.bfloat16)
    b1 = jnp.concatenate([user_b1, item_b1]).reshape(1, 2 * _HID)
    b2 = jnp.concatenate([user_b2, item_b2]).reshape(1, 2 * _OUT)
    hot = np.tile(np.eye(128, dtype=np.float32), (_BB // 128, 1))
    grp = np.repeat(np.eye(_BB // 128, dtype=np.float32), 128, axis=0)
    ones_r = np.ones((_OUT, 128), np.float32)
    rows = [_sc_gather(user_emb, item_emb, uidx[sl], iidx[sl])
            for sl in range(_NSLC)]
    outs = [_tc_mlp(ur, ir, w1, b1, w2, b2, hot, grp, ones_r)
            for ur, ir in rows]
    return jnp.concatenate(outs, axis=0).reshape(_B)

# --- scband reference (transcript-rebuilt; emitter-appended) ---
"""Pipeline reference for scband-two-tower-71528385348262 (READ-ONLY COPY).

The authoritative reference and input builder live on the scoring server;
editing this copy changes nothing except your own understanding.
"""

import jax, jax.numpy as jnp
import numpy as np

N_USERS = 1000000
N_ITEMS = 1000000
EMB_DIM = 128
HID = 64
OUT_DIM = 32
BATCH = 16384


def setup_inputs(seed: int = 0) -> dict:
    key = jax.random.key(seed)
    ks = jax.random.split(key, 12)
    u = jax.random.randint(ks[0], (BATCH,), 0, N_USERS, dtype=jnp.int64 if jax.config.jax_enable_x64 else jnp.int32)
    i = jax.random.randint(ks[1], (BATCH,), 0, N_ITEMS, dtype=jnp.int64 if jax.config.jax_enable_x64 else jnp.int32)
    user_emb = jax.random.normal(ks[2], (N_USERS, EMB_DIM), dtype=jnp.float32) * 0.02
    item_emb = jax.random.normal(ks[3], (N_ITEMS, EMB_DIM), dtype=jnp.float32) * 0.02
    user_W1 = jax.random.normal(ks[4], (HID, EMB_DIM), dtype=jnp.float32) * (1.0 / np.sqrt(EMB_DIM))
    user_b1 = jnp.zeros((HID,), dtype=jnp.float32)
    user_W2 = jax.random.normal(ks[5], (OUT_DIM, HID), dtype=jnp.float32) * (1.0 / np.sqrt(HID))
    user_b2 = jnp.zeros((OUT_DIM,), dtype=jnp.float32)
    item_W1 = jax.random.normal(ks[6], (HID, EMB_DIM), dtype=jnp.float32) * (1.0 / np.sqrt(EMB_DIM))
    item_b1 = jnp.zeros((HID,), dtype=jnp.float32)
    item_W2 = jax.random.normal(ks[7], (OUT_DIM, HID), dtype=jnp.float32) * (1.0 / np.sqrt(HID))
    item_b2 = jnp.zeros((OUT_DIM,), dtype=jnp.float32)
    return {
        'u': u, 'i': i,
        'user_emb': user_emb, 'user_W1': user_W1, 'user_b1': user_b1,
        'user_W2': user_W2, 'user_b2': user_b2,
        'item_emb': item_emb, 'item_W1': item_W1, 'item_b1': item_b1,
        'item_W2': item_W2, 'item_b2': item_b2,
    }


def reference(u, i, user_emb, user_W1, user_b1, user_W2, user_b2,
              item_emb, item_W1, item_b1, item_W2, item_b2):
    # User tower
    ux = jnp.take(user_emb, u, axis=0)
    ux = jax.nn.relu(ux @ user_W1.T + user_b1)
    ue = ux @ user_W2.T + user_b2
    # Item tower
    ix = jnp.take(item_emb, i, axis=0)
    ix = jax.nn.relu(ix @ item_W1.T + item_b1)
    ie = ix @ item_W2.T + item_b2
    return (ue * ie).sum(axis=-1)

if __name__ == "__main__":
    import jax
    _d = setup_inputs()
    print(jax.jit(kernel)(*tuple(_d.values())))

</pallas_src>

<mosaic_0001>
#map = affine_map<(d0, d1) -> (0, 0)>
module attributes {stable_mosaic.version = 14 : i64} {
  func.func @_gather_body(%arg0: i32, %arg1: i32, %arg2: memref<1000000x128xf32, #tpu.memory_space<hbm>>, %arg3: memref<1000000x128xf32, #tpu.memory_space<hbm>>, %arg4: memref<128x128xi32, #tpu.memory_space<hbm>>, %arg5: memref<128x128xi32, #tpu.memory_space<hbm>>, %arg6: memref<16384x128xf32, #tpu.memory_space<hbm>>, %arg7: memref<16384x128xf32, #tpu.memory_space<hbm>>, %arg8: memref<4x128xi32, #tpu.memory_space<vmem>>, %arg9: memref<4x128xi32, #tpu.memory_space<vmem>>, %arg10: memref<3x128x128xf32, #tpu.memory_space<vmem>>, %arg11: memref<3x128x128xf32, #tpu.memory_space<vmem>>, %arg12: memref<!tpu.dma_semaphore, #tpu.memory_space<semaphore_mem>>, %arg13: memref<!tpu.dma_semaphore, #tpu.memory_space<semaphore_mem>>, %arg14: memref<!tpu.dma_semaphore, #tpu.memory_space<semaphore_mem>>, %arg15: memref<!tpu.dma_semaphore, #tpu.memory_space<semaphore_mem>>, %arg16: memref<!tpu.dma_semaphore, #tpu.memory_space<semaphore_mem>>, %arg17: memref<!tpu.dma_semaphore, #tpu.memory_space<semaphore_mem>>, %arg18: memref<!tpu.dma_semaphore, #tpu.memory_space<semaphore_mem>>, %arg19: memref<!tpu.dma_semaphore, #tpu.memory_space<semaphore_mem>>, %arg20: memref<!tpu.dma_semaphore, #tpu.memory_space<semaphore_mem>>, %arg21: memref<!tpu.dma_semaphore, #tpu.memory_space<semaphore_mem>>, %arg22: memref<!tpu.dma_semaphore, #tpu.memory_space<semaphore_mem>>, %arg23: memref<!tpu.dma_semaphore, #tpu.memory_space<semaphore_mem>>) attributes {dimension_semantics = [#tpu.dimension_semantics<core_parallel>, #tpu.dimension_semantics<subcore_parallel>], iteration_bounds = array<i64: 2, 16>, scalar_prefetch = 0 : i64, scratch_operands = 16 : i64, tpu.core_type = #tpu.core_type<sc_vector_subcore>, window_params = [{transform_indices = #map}, {transform_indices = #map}, {transform_indices = #map}, {transform_indices = #map}, {transform_indices = #map}, {transform_indices = #map}]} {
    %mul3A = arith.constant 2 : i32
    %mul3A_0 = arith.muli %arg1, %mul3A : i32
    %add3A = arith.addi %mul3A_0, %arg0 : i32
    %mul3A_1 = arith.constant 512 : i32
    %mul3A_2 = arith.muli %add3A, %mul3A_1 : i32
    %mul3A_3 = arith.constant 4 : i32
    %mul3A_4 = arith.muli %add3A, %mul3A_3 : i32
    "tpu.region"() ({
      %run_scoped3A = tpu.sem_alloc : memref<!tpu.dma_semaphore, #tpu.memory_space<semaphore_mem>>
      %dma_start3A_421 = arith.constant 0 : i32
      %dma_start3A_422 = tpu.memref_slice %arg4[%mul3A_4, %dma_start3A_421] : memref<128x128xi32, #tpu.memory_space<hbm>> -> memref<4x128xi32, #tpu.memory_space<hbm>>
      %dma_start3A_423 = arith.constant 0 : i32
      %dma_start3A_424 = tpu.memref_slice %arg4[%mul3A_4, %dma_start3A_423] : memref<128x128xi32, #tpu.memory_space<hbm>> -> memref<4x128xi32, #tpu.memory_space<hbm>>
      tpu.enqueue_dma source(%dma_start3A_424 : memref<4x128xi32, #tpu.memory_space<hbm>>) target(%arg8 : memref<4x128xi32, #tpu.memory_space<vmem>>) target_semaphore(%run_scoped3A : memref<!tpu.dma_semaphore, #tpu.memory_space<semaphore_mem>>)
      %dma_wait3A_425 = arith.constant 0 : i32
      %dma_wait3A_426 = tpu.memref_slice %arg4[%mul3A_4, %dma_wait3A_425] : memref<128x128xi32, #tpu.memory_space<hbm>> -> memref<4x128xi32, #tpu.memory_space<hbm>>
      %dma_wait3A_427 = arith.constant 0 : i32
      %dma_wait3A_428 = tpu.memref_slice %arg4[%mul3A_4, %dma_wait3A_427] : memref<128x128xi32, #tpu.memory_space<hbm>> -> memref<4x128xi32, #tpu.memory_space<hbm>>
      tpu.wait_dma2 semaphore(%run_scoped3A : memref<!tpu.dma_semaphore, #tpu.memory_space<semaphore_mem>>) src(%dma_wait3A_428 : memref<4x128xi32, #tpu.memory_space<hbm>>) dst(%arg8 : memref<4x128xi32, #tpu.memory_space<vmem>>)
      tpu.yield
    }) : () -> ()
    %mul3A_5 = arith.constant 4 : i32
    %mul3A_6 = arith.muli %add3A, %mul3A_5 : i32
    "tpu.region"() ({
      %run_scoped3A = tpu.sem_alloc : memref<!tpu.dma_semaphore, #tpu.memory_space<semaphore_mem>>
      %dma_start3A_421 = arith.constant 0 : i32
      %dma_start3A_422 = tpu.memref_slice %arg5[%mul3A_6, %dma_start3A_421] : memref<128x128xi32, #tpu.memory_space<hbm>> -> memref<4x128xi32, #tpu.memory_space<hbm>>
      %dma_start3A_423 = arith.constant 0 : i32
      %dma_start3A_424 = tpu.memref_slice %arg5[%mul3A_6, %dma_start3A_423] : memref<128x128xi32, #tpu.memory_space<hbm>> -> memref<4x128xi32, #tpu.memory_space<hbm>>
      tpu.enqueue_dma source(%dma_start3A_424 : memref<4x128xi32, #tpu.memory_space<hbm>>) target(%arg9 : memref<4x128xi32, #tpu.memory_space<vmem>>) target_semaphore(%run_scoped3A : memref<!tpu.dma_semaphore, #tpu.memory_space<semaphore_mem>>)
      %dma_wait3A_425 = arith.constant 0 : i32
      %dma_wait3A_426 = tpu.memref_slice %arg5[%mul3A_6, %dma_wait3A_425] : memref<128x128xi32, #tpu.memory_space<hbm>> -> memref<4x128xi32, #tpu.memory_space<hbm>>
      %dma_wait3A_427 = arith.constant 0 : i32
      %dma_wait3A_428 = tpu.memref_slice %arg5[%mul3A_6, %dma_wait3A_427] : memref<128x128xi32, #tpu.memory_space<hbm>> -> memref<4x128xi32, #tpu.memory_space<hbm>>
      tpu.wait_dma2 semaphore(%run_scoped3A : memref<!tpu.dma_semaphore, #tpu.memory_space<semaphore_mem>>) src(%dma_wait3A_428 : memref<4x128xi32, #tpu.memory_space<hbm>>) dst(%arg9 : memref<4x128xi32, #tpu.memory_space<vmem>>)
      tpu.yield
    }) : () -> ()
    %dma_start3A = arith.constant 0 : i32
    %dma_start3A_7 = arith.constant 0 : i32
    %dma_start3A_8 = arith.constant 0 : i32
    %dma_start3A_9 = arith.constant 0 : i32
    %dma_start3A_10 = tpu.memref_slice %arg10[%dma_start3A_7, %dma_start3A_8, %dma_start3A_9] : memref<3x128x128xf32, #tpu.memory_space<vmem>> -> memref<1x128x128xf32, #tpu.memory_space<vmem>>
    %dma_start3A_11 = tpu.memref_squeeze %dma_start3A_10 : memref<1x128x128xf32, #tpu.memory_space<vmem>> -> memref<128x128xf32, #tpu.memory_space<vmem>>
    %dma_start3A_12 = arith.constant 0 : i32
    %dma_start3A_13 = tpu.memref_slice %arg8[%dma_start3A, %dma_start3A_12] : memref<4x128xi32, #tpu.memory_space<vmem>> -> memref<1x128xi32, #tpu.memory_space<vmem>>
    %dma_start3A_14 = tpu.memref_squeeze %dma_start3A_13 : memref<1x128xi32, #tpu.memory_space<vmem>> -> memref<128xi32, #tpu.memory_space<vmem>>
    %dma_start3A_15 = arith.constant 0 : i32
    %dma_start3A_16 = arith.constant 0 : i32
    %dma_start3A_17 = tpu.memref_slice %arg2[%dma_start3A_15, %dma_start3A_16] : memref<1000000x128xf32, #tpu.memory_space<hbm>> -> memref<1000000x128xf32, #tpu.memory_space<hbm>>
    tpu.enqueue_indirect_dma source(%dma_start3A_17 : memref<1000000x128xf32, #tpu.memory_space<hbm>>) target(%dma_start3A_11 : memref<128x128xf32, #tpu.memory_space<vmem>>) offsets(%dma_start3A_14 : memref<128xi32, #tpu.memory_space<vmem>>) semaphore(%arg12 : memref<!tpu.dma_semaphore, #tpu.memory_space<semaphore_mem>>)
    %dma_start3A_18 = arith.constant 0 : i32
    %dma_start3A_19 = arith.constant 0 : i32
    %dma_start3A_20 = arith.constant 0 : i32
    %dma_start3A_21 = arith.constant 0 : i32
    %dma_start3A_22 = tpu.memref_slice %arg11[%dma_start3A_19, %dma_start3A_20, %dma_start3A_21] : memref<3x128x128xf32, #tpu.memory_space<vmem>> -> memref<1x128x128xf32, #tpu.memory_space<vmem>>
    %dma_start3A_23 = tpu.memref_squeeze %dma_start3A_22 : memref<1x128x128xf32, #tpu.memory_space<vmem>> -> memref<128x128xf32, #tpu.memory_space<vmem>>
    %dma_start3A_24 = arith.constant 0 : i32
    %dma_start3A_25 = tpu.memref_slice %arg9[%dma_start3A_18, %dma_start3A_24] : memref<4x128xi32, #tpu.memory_space<vmem>> -> memref<1x128xi32, #tpu.memory_space<vmem>>
    %dma_start3A_26 = tpu.memref_squeeze %dma_start3A_25 : memref<1x128xi32, #tpu.memory_space<vmem>> -> memref<128xi32, #tpu.memory_space<vmem>>
    %dma_start3A_27 = arith.constant 0 : i32
    %dma_start3A_28 = arith.constant 0 : i32
    %dma_start3A_29 = tpu.memref_slice %arg3[%dma_start3A_27, %dma_start3A_28] : memref<1000000x128xf32, #tpu.memory_space<hbm>> -> memref<1000000x128xf32, #tpu.memory_space<hbm>>
    tpu.enqueue_indirect_dma source(%dma_start3A_29 : memref<1000000x128xf32, #tpu.memory_space<hbm>>) target(%dma_start3A_23 : memref<128x128xf32, #tpu.memory_space<vmem>>) offsets(%dma_start3A_26 : memref<128xi32, #tpu.memory_space<vmem>>) semaphore(%arg15 : memref<!tpu.dma_semaphore, #tpu.memory_space<semaphore_mem>>)
    %dma_start3A_30 = arith.constant 1 : i32
    %dma_start3A_31 = arith.constant 1 : i32
    %dma_start3A_32 = arith.constant 0 : i32
    %dma_start3A_33 = arith.constant 0 : i32
    %dma_start3A_34 = tpu.memref_slice %arg10[%dma_start3A_31, %dma_start3A_32, %dma_start3A_33] : memref<3x128x128xf32, #tpu.memory_space<vmem>> -> memref<1x128x128xf32, #tpu.memory_space<vmem>>
    %dma_start3A_35 = tpu.memref_squeeze %dma_start3A_34 : memref<1x128x128xf32, #tpu.memory_space<vmem>> -> memref<128x128xf32, #tpu.memory_space<vmem>>
    %dma_start3A_36 = arith.constant 0 : i32
    %dma_start3A_37 = tpu.memref_slice %arg8[%dma_start3A_30, %dma_start3A_36] : memref<4x128xi32, #tpu.memory_space<vmem>> -> memref<1x128xi32, #tpu.memory_space<vmem>>
    %dma_start3A_38 = tpu.memref_squeeze %dma_start3A_37 : memref<1x128xi32, #tpu.memory_space<vmem>> -> memref<128xi32, #tpu.memory_space<vmem>>
    %dma_start3A_39 = arith.constant 0 : i32
    %dma_start3A_40 = arith.constant 0 : i32
    %dma_start3A_41 = tpu.memref_slice %arg2[%dma_start3A_39, %dma_start3A_40] : memref<1000000x128xf32, #tpu.memory_space<hbm>> -> memref<1000000x128xf32, #tpu.memory_space<hbm>>
    tpu.enqueue_indirect_dma source(%dma_start3A_41 : memref<1000000x128xf32, #tpu.memory_space<hbm>>) target(%dma_start3A_35 : memref<128x128xf32, #tpu.memory_space<vmem>>) offsets(%dma_start3A_38 : memref<128xi32, #tpu.memory_space<vmem>>) semaphore(%arg13 : memref<!tpu.dma_semaphore, #tpu.memory_space<semaphore_mem>>)
    %dma_start3A_42 = arith.constant 1 : i32
    %dma_start3A_43 = arith.constant 1 : i32
    %dma_start3A_44 = arith.constant 0 : i32
    %dma_start3A_45 = arith.constant 0 : i32
    %dma_start3A_46 = tpu.memref_slice %arg11[%dma_start3A_43, %dma_start3A_44, %dma_start3A_45] : memref<3x128x128xf32, #tpu.memory_space<vmem>> -> memref<1x128x128xf32, #tpu.memory_space<vmem>>
    %dma_start3A_47 = tpu.memref_squeeze %dma_start3A_46 : memref<1x128x128xf32, #tpu.memory_space<vmem>> -> memref<128x128xf32, #tpu.memory_space<vmem>>
    %dma_start3A_48 = arith.constant 0 : i32
    %dma_start3A_49 = tpu.memref_slice %arg9[%dma_start3A_42, %dma_start3A_48] : memref<4x128xi32, #tpu.memory_space<vmem>> -> memref<1x128xi32, #tpu.memory_space<vmem>>
    %dma_start3A_50 = tpu.memref_squeeze %dma_start3A_49 : memref<1x128xi32, #tpu.memory_space<vmem>> -> memref<128xi32, #tpu.memory_space<vmem>>
    %dma_start3A_51 = arith.constant 0 : i32
    %dma_start3A_52 = arith.constant 0 : i32
    %dma_start3A_53 = tpu.memref_slice %arg3[%dma_start3A_51, %dma_start3A_52] : memref<1000000x128xf32, #tpu.memory_space<hbm>> -> memref<1000000x128xf32, #tpu.memory_space<hbm>>
    tpu.enqueue_indirect_dma source(%dma_start3A_53 : memref<1000000x128xf32, #tpu.memory_space<hbm>>) target(%dma_start3A_47 : memref<128x128xf32, #tpu.memory_space<vmem>>) offsets(%dma_start3A_50 : memref<128xi32, #tpu.memory_space<vmem>>) semaphore(%arg16 : memref<!tpu.dma_semaphore, #tpu.memory_space<semaphore_mem>>)
    %dma_start3A_54 = arith.constant 2 : i32
    %dma_start3A_55 = arith.constant 2 : i32
    %dma_start3A_56 = arith.constant 0 : i32
    %dma_start3A_57 = arith.constant 0 : i32
    %dma_start3A_58 = tpu.memref_slice %arg10[%dma_start3A_55, %dma_start3A_56, %dma_start3A_57] : memref<3x128x128xf32, #tpu.memory_space<vmem>> -> memref<1x128x128xf32, #tpu.memory_space<vmem>>
    %dma_start3A_59 = tpu.memref_squeeze %dma_start3A_58 : memref<1x128x128xf32, #tpu.memory_space<vmem>> -> memref<128x128xf32, #tpu.memory_space<vmem>>
    %dma_start3A_60 = arith.constant 0 : i32
    %dma_start3A_61 = tpu.memref_slice %arg8[%dma_start3A_54, %dma_start3A_60] : memref<4x128xi32, #tpu.memory_space<vmem>> -> memref<1x128xi32, #tpu.memory_space<vmem>>
    %dma_start3A_62 = tpu.memref_squeeze %dma_start3A_61 : memref<1x128xi32, #tpu.memory_space<vmem>> -> memref<128xi32, #tpu.memory_space<vmem>>
    %dma_start3A_63 = arith.constant 0 : i32
    %dma_start3A_64 = arith.constant 0 : i32
    %dma_start3A_65 = tpu.memref_slice %arg2[%dma_start3A_63, %dma_start3A_64] : memref<1000000x128xf32, #tpu.memory_space<hbm>> -> memref<1000000x128xf32, #tpu.memory_space<hbm>>
    tpu.enqueue_indirect_dma source(%dma_start3A_65 : memref<1000000x128xf32, #tpu.memory_space<hbm>>) target(%dma_start3A_59 : memref<128x128xf32, #tpu.memory_space<vmem>>) offsets(%dma_start3A_62 : memref<128xi32, #tpu.memory_space<vmem>>) semaphore(%arg14 : memref<!tpu.dma_semaphore, #tpu.memory_space<semaphore_mem>>)
    %dma_start3A_66 = arith.constant 2 : i32
    %dma_start3A_67 = arith.constant 2 : i32
    %dma_start3A_68 = arith.constant 0 : i32
    %dma_start3A_69 = arith.constant 0 : i32
    %dma_start3A_70 = tpu.memref_slice %arg11[%dma_start3A_67, %dma_start3A_68, %dma_start3A_69] : memref<3x128x128xf32, #tpu.memory_space<vmem>> -> memref<1x128x128xf32, #tpu.memory_space<vmem>>
    %dma_start3A_71 = tpu.memref_squeeze %dma_start3A_70 : memref<1x128x128xf32, #tpu.memory_space<vmem>> -> memref<128x128xf32, #tpu.memory_space<vmem>>
    %dma_start3A_72 = arith.constant 0 : i32
    %dma_start3A_73 = tpu.memref_slice %arg9[%dma_start3A_66, %dma_start3A_72] : memref<4x128xi32, #tpu.memory_space<vmem>> -> memref<1x128xi32, #tpu.memory_space<vmem>>
    %dma_start3A_74 = tpu.memref_squeeze %dma_start3A_73 : memref<1x128xi32, #tpu.memory_space<vmem>> -> memref<128xi32, #tpu.memory_space<vmem>>
    %dma_start3A_75 = arith.constant 0 : i32
    %dma_start3A_76 = arith.constant 0 : i32
    %dma_start3A_77 = tpu.memref_slice %arg3[%dma_start3A_75, %dma_start3A_76] : memref<1000000x128xf32, #tpu.memory_space<hbm>> -> memref<1000000x128xf32, #tpu.memory_space<hbm>>
    tpu.enqueue_indirect_dma source(%dma_start3A_77 : memref<1000000x128xf32, #tpu.memory_space<hbm>>) target(%dma_start3A_71 : memref<128x128xf32, #tpu.memory_space<vmem>>) offsets(%dma_start3A_74 : memref<128xi32, #tpu.memory_space<vmem>>) semaphore(%arg17 : memref<!tpu.dma_semaphore, #tpu.memory_space<semaphore_mem>>)
    %dma_wait3A = arith.constant 0 : i32
    %dma_wait3A_78 = arith.constant 0 : i32
    %dma_wait3A_79 = arith.constant 0 : i32
    %dma_wait3A_80 = arith.constant 0 : i32
    %dma_wait3A_81 = tpu.memref_slice %arg10[%dma_wait3A_78, %dma_wait3A_79, %dma_wait3A_80] : memref<3x128x128xf32, #tpu.memory_space<vmem>> -> memref<1x128x128xf32, #tpu.memory_space<vmem>>
    %dma_wait3A_82 = tpu.memref_squeeze %dma_wait3A_81 : memref<1x128x128xf32, #tpu.memory_space<vmem>> -> memref<128x128xf32, #tpu.memory_space<vmem>>
    %dma_wait3A_83 = arith.constant 0 : i32
    %dma_wait3A_84 = tpu.memref_slice %arg8[%dma_wait3A, %dma_wait3A_83] : memref<4x128xi32, #tpu.memory_space<vmem>> -> memref<1x128xi32, #tpu.memory_space<vmem>>
    %dma_wait3A_85 = tpu.memref_squeeze %dma_wait3A_84 : memref<1x128xi32, #tpu.memory_space<vmem>> -> memref<128xi32, #tpu.memory_space<vmem>>
    %dma_wait3A_86 = arith.constant 0 : i32
    %dma_wait3A_87 = arith.constant 0 : i32
    %dma_wait3A_88 = tpu.memref_slice %arg2[%dma_wait3A_86, %dma_wait3A_87] : memref<1000000x128xf32, #tpu.memory_space<hbm>> -> memref<1000000x128xf32, #tpu.memory_space<hbm>>
    tpu.wait_indirect_dma semaphore(%arg12 : memref<!tpu.dma_semaphore, #tpu.memory_space<semaphore_mem>>) src(%dma_wait3A_88 : memref<1000000x128xf32, #tpu.memory_space<hbm>>) dst(%dma_wait3A_82 : memref<128x128xf32, #tpu.memory_space<vmem>>)
    %add3A_89 = arith.constant 0 : i32
    %add3A_90 = arith.addi %mul3A_2, %add3A_89 : i32
    %dma_start3A_91 = arith.constant 0 : i32
    %dma_start3A_92 = arith.constant 0 : i32
    %dma_start3A_93 = arith.constant 0 : i32
    %dma_start3A_94 = tpu.memref_slice %arg10[%dma_start3A_91, %dma_start3A_92, %dma_start3A_93] : memref<3x128x128xf32, #tpu.memory_space<vmem>> -> memref<1x128x128xf32, #tpu.memory_space<vmem>>
    %dma_start3A_95 = tpu.memref_squeeze %dma_start3A_94 : memref<1x128x128xf32, #tpu.memory_space<vmem>> -> memref<128x128xf32, #tpu.memory_space<vmem>>
    %dma_start3A_96 = arith.constant 0 : i32
    %dma_start3A_97 = tpu.memref_slice %arg6[%add3A_90, %dma_start3A_96] : memref<16384x128xf32, #tpu.memory_space<hbm>> -> memref<128x128xf32, #tpu.memory_space<hbm>>
    %dma_start3A_98 = arith.constant 0 : i32
    %dma_start3A_99 = tpu.memref_slice %arg6[%add3A_90, %dma_start3A_98] : memref<16384x128xf32, #tpu.memory_space<hbm>> -> memref<128x128xf32, #tpu.memory_space<hbm>>
    %dma_start3A_100 = arith.constant 0 : i32
    %dma_start3A_101 = arith.constant 0 : i32
    %dma_start3A_102 = tpu.memref_slice %arg10[%dma_start3A_91, %dma_start3A_100, %dma_start3A_101] : memref<3x128x128xf32, #tpu.memory_space<vmem>> -> memref<1x128x128xf32, #tpu.memory_space<vmem>>
    %dma_start3A_103 = tpu.memref_squeeze %dma_start3A_102 : memref<1x128x128xf32, #tpu.memory_space<vmem>> -> memref<128x128xf32, #tpu.memory_space<vmem>>
    tpu.enqueue_dma source(%dma_start3A_103 : memref<128x128xf32, #tpu.memory_space<vmem>>) target(%dma_start3A_99 : memref<128x128xf32, #tpu.memory_space<hbm>>) target_semaphore(%arg18 : memref<!tpu.dma_semaphore, #tpu.memory_space<semaphore_mem>>)
    %dma_wait3A_104 = arith.constant 0 : i32
    %dma_wait3A_105 = arith.constant 0 : i32
    %dma_wait3A_106 = arith.constant 0 : i32
    %dma_wait3A_107 = arith.constant 0 : i32
    %dma_wait3A_108 = tpu.memref_slice %arg11[%dma_wait3A_105, %dma_wait3A_106, %dma_wait3A_107] : memref<3x128x128xf32, #tpu.memory_space<vmem>> -> memref<1x128x128xf32, #tpu.memory_space<vmem>>
    %dma_wait3A_109 = tpu.memref_squeeze %dma_wait3A_108 : memref<1x128x128xf32, #tpu.memory_space<vmem>> -> memref<128x128xf32, #tpu.memory_space<vmem>>
    %dma_wait3A_110 = arith.constant 0 : i32
    %dma_wait3A_111 = tpu.memref_slice %arg9[%dma_wait3A_104, %dma_wait3A_110] : memref<4x128xi32, #tpu.memory_space<vmem>> -> memref<1x128xi32, #tpu.memory_space<vmem>>
    %dma_wait3A_112 = tpu.memref_squeeze %dma_wait3A_111 : memref<1x128xi32, #tpu.memory_space<vmem>> -> memref<128xi32, #tpu.memory_space<vmem>>
    %dma_wait3A_113 = arith.constant 0 : i32
    %dma_wait3A_114 = arith.constant 0 : i32
    %dma_wait3A_115 = tpu.memref_slice %arg3[%dma_wait3A_113, %dma_wait3A_114] : memref<1000000x128xf32, #tpu.memory_space<hbm>> -> memref<1000000x128xf32, #tpu.memory_space<hbm>>
    tpu.wait_indirect_dma semaphore(%arg15 : memref<!tpu.dma_semaphore, #tpu.memory_space<semaphore_mem>>) src(%dma_wait3A_115 : memref<1000000x128xf32, #tpu.memory_space<hbm>>) dst(%dma_wait3A_109 : memref<128x128xf32, #tpu.memory_space<vmem>>)
    %add3A_116 = arith.constant 0 : i32
    %add3A_117 = arith.addi %mul3A_2, %add3A_116 : i32
    %dma_start3A_118 = arith.constant 0 : i32
    %dma_start3A_119 = arith.constant 0 : i32
    %dma_start3A_120 = arith.constant 0 : i32
    %dma_start3A_121 = tpu.memref_slice %arg11[%dma_start3A_118, %dma_start3A_119, %dma_start3A_120] : memref<3x128x128xf32, #tpu.memory_space<vmem>> -> memref<1x128x128xf32, #tpu.memory_space<vmem>>
    %dma_start3A_122 = tpu.memref_squeeze %dma_start3A_121 : memref<1x128x128xf32, #tpu.memory_space<vmem>> -> memref<128x128xf32, #tpu.memory_space<vmem>>
    %dma_start3A_123 = arith.constant 0 : i32
    %dma_start3A_124 = tpu.memref_slice %arg7[%add3A_117, %dma_start3A_123] : memref<16384x128xf32, #tpu.memory_space<hbm>> -> memref<128x128xf32, #tpu.memory_space<hbm>>
    %dma_start3A_125 = arith.constant 0 : i32
    %dma_start3A_126 = tpu.memref_slice %arg7[%add3A_117, %dma_start3A_125] : memref<16384x128xf32, #tpu.memory_space<hbm>> -> memref<128x128xf32, #tpu.memory_space<hbm>>
    %dma_start3A_127 = arith.constant 0 : i32
    %dma_start3A_128 = arith.constant 0 : i32
    %dma_start3A_129 = tpu.memref_slice %arg11[%dma_start3A_118, %dma_start3A_127, %dma_start3A_128] : memref<3x128x128xf32, #tpu.memory_space<vmem>> -> memref<1x128x128xf32, #tpu.memory_space<vmem>>
    %dma_start3A_130 = tpu.memref_squeeze %dma_start3A_129 : memref<1x128x128xf32, #tpu.memory_space<vmem>> -> memref<128x128xf32, #tpu.memory_space<vmem>>
    tpu.enqueue_dma source(%dma_start3A_130 : memref<128x128xf32, #tpu.memory_space<vmem>>) target(%dma_start3A_126 : memref<128x128xf32, #tpu.memory_space<hbm>>) target_semaphore(%arg21 : memref<!tpu.dma_semaphore, #tpu.memory_space<semaphore_mem>>)
    %dma_wait3A_131 = arith.constant 1 : i32
    %dma_wait3A_132 = arith.constant 1 : i32
    %dma_wait3A_133 = arith.constant 0 : i32
    %dma_wait3A_134 = arith.constant 0 : i32
    %dma_wait3A_135 = tpu.memref_slice %arg10[%dma_wait3A_132, %dma_wait3A_133, %dma_wait3A_134] : memref<3x128x128xf32, #tpu.memory_space<vmem>> -> memref<1x128x128xf32, #tpu.memory_space<vmem>>
    %dma_wait3A_136 = tpu.memref_squeeze %dma_wait3A_135 : memref<1x128x128xf32, #tpu.memory_space<vmem>> -> memref<128x128xf32, #tpu.memory_space<vmem>>
    %dma_wait3A_137 = arith.constant 0 : i32
    %dma_wait3A_138 = tpu.memref_slice %arg8[%dma_wait3A_131, %dma_wait3A_137] : memref<4x128xi32, #tpu.memory_space<vmem>> -> memref<1x128xi32, #tpu.memory_space<vmem>>
    %dma_wait3A_139 = tpu.memref_squeeze %dma_wait3A_138 : memref<1x128xi32, #tpu.memory_space<vmem>> -> memref<128xi32, #tpu.memory_space<vmem>>
    %dma_wait3A_140 = arith.constant 0 : i32
    %dma_wait3A_141 = arith.constant 0 : i32
    %dma_wait3A_142 = tpu.memref_slice %arg2[%dma_wait3A_140, %dma_wait3A_141] : memref<1000000x128xf32, #tpu.memory_space<hbm>> -> memref<1000000x128xf32, #tpu.memory_space<hbm>>
    tpu.wait_indirect_dma semaphore(%arg13 : memref<!tpu.dma_semaphore, #tpu.memory_space<semaphore_mem>>) src(%dma_wait3A_142 : memref<1000000x128xf32, #tpu.memory_space<hbm>>) dst(%dma_wait3A_136 : memref<128x128xf32, #tpu.memory_space<vmem>>)
    %add3A_143 = arith.constant 128 : i32
    %add3A_144 = arith.addi %mul3A_2, %add3A_143 : i32
    %dma_start3A_145 = arith.constant 1 : i32
    %dma_start3A_146 = arith.constant 0 : i32
    %dma_start3A_147 = arith.constant 0 : i32
    %dma_start3A_148 = tpu.memref_slice %arg10[%dma_start3A_145, %dma_start3A_146, %dma_start3A_147] : memref<3x128x128xf32, #tpu.memory_space<vmem>> -> memref<1x128x128xf32, #tpu.memory_space<vmem>>
    %dma_start3A_149 = tpu.memref_squeeze %dma_start3A_148 : memref<1x128x128xf32, #tpu.memory_space<vmem>> -> memref<128x128xf32, #tpu.memory_space<vmem>>
    %dma_start3A_150 = arith.constant 0 : i32
    %dma_start3A_151 = tpu.memref_slice %arg6[%add3A_144, %dma_start3A_150] : memref<16384x128xf32, #tpu.memory_space<hbm>> -> memref<128x128xf32, #tpu.memory_space<hbm>>
    %dma_start3A_152 = arith.constant 0 : i32
    %dma_start3A_153 = tpu.memref_slice %arg6[%add3A_144, %dma_start3A_152] : memref<16384x128xf32, #tpu.memory_space<hbm>> -> memref<128x128xf32, #tpu.memory_space<hbm>>
    %dma_start3A_154 = arith.constant 0 : i32
    %dma_start3A_155 = arith.constant 0 : i32
    %dma_start3A_156 = tpu.memref_slice %arg10[%dma_start3A_145, %dma_start3A_154, %dma_start3A_155] : memref<3x128x128xf32, #tpu.memory_space<vmem>> -> memref<1x128x128xf32, #tpu.memory_space<vmem>>
    %dma_start3A_157 = tpu.memref_squeeze %dma_start3A_156 : memref<1x128x128xf32, #tpu.memory_space<vmem>> -> memref<128x128xf32, #tpu.memory_space<vmem>>
    tpu.enqueue_dma source(%dma_start3A_157 : memref<128x128xf32, #tpu.memory_space<vmem>>) target(%dma_start3A_153 : memref<128x128xf32, #tpu.memory_space<hbm>>) target_semaphore(%arg19 : memref<!tpu.dma_semaphore, #tpu.memory_space<semaphore_mem>>)
    %dma_wait3A_158 = arith.constant 1 : i32
    %dma_wait3A_159 = arith.constant 1 : i32
    %dma_wait3A_160 = arith.constant 0 : i32
    %dma_wait3A_161 = arith.constant 0 : i32
    %dma_wait3A_162 = tpu.memref_slice %arg11[%dma_wait3A_159, %dma_wait3A_160, %dma_wait3A_161] : memref<3x128x128xf32, #tpu.memory_space<vmem>> -> memref<1x128x128xf32, #tpu.memory_space<vmem>>
    %dma_wait3A_163 = tpu.memref_squeeze %dma_wait3A_162 : memref<1x128x128xf32, #tpu.memory_space<vmem>> -> memref<128x128xf32, #tpu.memory_space<vmem>>
    %dma_wait3A_164 = arith.constant 0 : i32
    %dma_wait3A_165 = tpu.memref_slice %arg9[%dma_wait3A_158, %dma_wait3A_164] : memref<4x128xi32, #tpu.memory_space<vmem>> -> memref<1x128xi32, #tpu.memory_space<vmem>>
    %dma_wait3A_166 = tpu.memref_squeeze %dma_wait3A_165 : memref<1x128xi32, #tpu.memory_space<vmem>> -> memref<128xi32, #tpu.memory_space<vmem>>
    %dma_wait3A_167 = arith.constant 0 : i32
    %dma_wait3A_168 = arith.constant 0 : i32
    %dma_wait3A_169 = tpu.memref_slice %arg3[%dma_wait3A_167, %dma_wait3A_168] : memref<1000000x128xf32, #tpu.memory_space<hbm>> -> memref<1000000x128xf32, #tpu.memory_space<hbm>>
    tpu.wait_indirect_dma semaphore(%arg16 : memref<!tpu.dma_semaphore, #tpu.memory_space<semaphore_mem>>) src(%dma_wait3A_169 : memref<1000000x128xf32, #tpu.memory_space<hbm>>) dst(%dma_wait3A_163 : memref<128x128xf32, #tpu.memory_space<vmem>>)
    %add3A_170 = arith.constant 128 : i32
    %add3A_171 = arith.addi %mul3A_2, %add3A_170 : i32
    %dma_start3A_172 = arith.constant 1 : i32
    %dma_start3A_173 = arith.constant 0 : i32
    %dma_start3A_174 = arith.constant 0 : i32
    %dma_start3A_175 = tpu.memref_slice %arg11[%dma_start3A_172, %dma_start3A_173, %dma_start3A_174] : memref<3x128x128xf32, #tpu.memory_space<vmem>> -> memref<1x128x128xf32, #tpu.memory_space<vmem>>
    %dma_start3A_176 = tpu.memref_squeeze %dma_start3A_175 : memref<1x128x128xf32, #tpu.memory_space<vmem>> -> memref<128x128xf32, #tpu.memory_space<vmem>>
    %dma_start3A_177 = arith.constant 0 : i32
    %dma_start3A_178 = tpu.memref_slice %arg7[%add3A_171, %dma_start3A_177] : memref<16384x128xf32, #tpu.memory_space<hbm>> -> memref<128x128xf32, #tpu.memory_space<hbm>>
    %dma_start3A_179 = arith.constant 0 : i32
    %dma_start3A_180 = tpu.memref_slice %arg7[%add3A_171, %dma_start3A_179] : memref<16384x128xf32, #tpu.memory_space<hbm>> -> memref<128x128xf32, #tpu.memory_space<hbm>>
    %dma_start3A_181 = arith.constant 0 : i32
    %dma_start3A_182 = arith.constant 0 : i32
    %dma_start3A_183 = tpu.memref_slice %arg11[%dma_start3A_172, %dma_start3A_181, %dma_start3A_182] : memref<3x128x128xf32, #tpu.memory_space<vmem>> -> memref<1x128x128xf32, #tpu.memory_space<vmem>>
    %dma_start3A_184 = tpu.memref_squeeze %dma_start3A_183 : memref<1x128x128xf32, #tpu.memory_space<vmem>> -> memref<128x128xf32, #tpu.memory_space<vmem>>
    tpu.enqueue_dma source(%dma_start3A_184 : memref<128x128xf32, #tpu.memory_space<vmem>>) target(%dma_start3A_180 : memref<128x128xf32, #tpu.memory_space<hbm>>) target_semaphore(%arg22 : memref<!tpu.dma_semaphore, #tpu.memory_space<semaphore_mem>>)
    %dma_wait3A_185 = arith.constant 2 : i32
    %dma_wait3A_186 = arith.constant 2 : i32
    %dma_wait3A_187 = arith.constant 0 : i32
    %dma_wait3A_188 = arith.constant 0 : i32
    %dma_wait3A_189 = tpu.memref_slice %arg10[%dma_wait3A_186, %dma_wait3A_187, %dma_wait3A_188] : memref<3x128x128xf32, #tpu.memory_space<vmem>> -> memref<1x128x128xf32, #tpu.memory_space<vmem>>
    %dma_wait3A_190 = tpu.memref_squeeze %dma_wait3A_189 : memref<1x128x128xf32, #tpu.memory_space<vmem>> -> memref<128x128xf32, #tpu.memory_space<vmem>>
    %dma_wait3A_191 = arith.constant 0 : i32
    %dma_wait3A_192 = tpu.memref_slice %arg8[%dma_wait3A_185, %dma_wait3A_191] : memref<4x128xi32, #tpu.memory_space<vmem>> -> memref<1x128xi32, #tpu.memory_space<vmem>>
    %dma_wait3A_193 = tpu.memref_squeeze %dma_wait3A_192 : memref<1x128xi32, #tpu.memory_space<vmem>> -> memref<128xi32, #tpu.memory_space<vmem>>
    %dma_wait3A_194 = arith.constant 0 : i32
    %dma_wait3A_195 = arith.constant 0 : i32
    %dma_wait3A_196 = tpu.memref_slice %arg2[%dma_wait3A_194, %dma_wait3A_195] : memref<1000000x128xf32, #tpu.memory_space<hbm>> -> memref<1000000x128xf32, #tpu.memory_space<hbm>>
    tpu.wait_indirect_dma semaphore(%arg14 : memref<!tpu.dma_semaphore, #tpu.memory_space<semaphore_mem>>) src(%dma_wait3A_196 : memref<1000000x128xf32, #tpu.memory_space<hbm>>) dst(%dma_wait3A_190 : memref<128x128xf32, #tpu.memory_space<vmem>>)
    %add3A_197 = arith.constant 256 : i32
    %add3A_198 = arith.addi %mul3A_2, %add3A_197 : i32
    %dma_start3A_199 = arith.constant 2 : i32
    %dma_start3A_200 = arith.constant 0 : i32
    %dma_start3A_201 = arith.constant 0 : i32
    %dma_start3A_202 = tpu.memref_slice %arg10[%dma_start3A_199, %dma_start3A_200, %dma_start3A_201] : memref<3x128x128xf32, #tpu.memory_space<vmem>> -> memref<1x128x128xf32, #tpu.memory_space<vmem>>
    %dma_start3A_203 = tpu.memref_squeeze %dma_start3A_202 : memref<1x128x128xf32, #tpu.memory_space<vmem>> -> memref<128x128xf32, #tpu.memory_space<vmem>>
    %dma_start3A_204 = arith.constant 0 : i32
    %dma_start3A_205 = tpu.memref_slice %arg6[%add3A_198, %dma_start3A_204] : memref<16384x128xf32, #tpu.memory_space<hbm>> -> memref<128x128xf32, #tpu.memory_space<hbm>>
    %dma_start3A_206 = arith.constant 0 : i32
    %dma_start3A_207 = tpu.memref_slice %arg6[%add3A_198, %dma_start3A_206] : memref<16384x128xf32, #tpu.memory_space<hbm>> -> memref<128x128xf32, #tpu.memory_space<hbm>>
    %dma_start3A_208 = arith.constant 0 : i32
    %dma_start3A_209 = arith.constant 0 : i32
    %dma_start3A_210 = tpu.memref_slice %arg10[%dma_start3A_199, %dma_start3A_208, %dma_start3A_209] : memref<3x128x128xf32, #tpu.memory_space<vmem>> -> memref<1x128x128xf32, #tpu.memory_space<vmem>>
    %dma_start3A_211 = tpu.memref_squeeze %dma_start3A_210 : memref<1x128x128xf32, #tpu.memory_space<vmem>> -> memref<128x128xf32, #tpu.memory_space<vmem>>
    tpu.enqueue_dma source(%dma_start3A_211 : memref<128x128xf32, #tpu.memory_space<vmem>>) target(%dma_start3A_207 : memref<128x128xf32, #tpu.memory_space<hbm>>) target_semaphore(%arg20 : memref<!tpu.dma_semaphore, #tpu.memory_space<semaphore_mem>>)
    %dma_wait3A_212 = arith.constant 2 : i32
    %dma_wait3A_213 = arith.constant 2 : i32
    %dma_wait3A_214 = arith.constant 0 : i32
    %dma_wait3A_215 = arith.constant 0 : i32
    %dma_wait3A_216 = tpu.memref_slice %arg11[%dma_wait3A_213, %dma_wait3A_214, %dma_wait3A_215] : memref<3x128x128xf32, #tpu.memory_space<vmem>> -> memref<1x128x128xf32, #tpu.memory_space<vmem>>
    %dma_wait3A_217 = tpu.memref_squeeze %dma_wait3A_216 : memref<1x128x128xf32, #tpu.memory_space<vmem>> -> memref<128x128xf32, #tpu.memory_space<vmem>>
    %dma_wait3A_218 = arith.constant 0 : i32
    %dma_wait3A_219 = tpu.memref_slice %arg9[%dma_wait3A_212, %dma_wait3A_218] : memref<4x128xi32, #tpu.memory_space<vmem>> -> memref<1x128xi32, #tpu.memory_space<vmem>>
    %dma_wait3A_220 = tpu.memref_squeeze %dma_wait3A_219 : memref<1x128xi32, #tpu.memory_space<vmem>> -> memref<128xi32, #tpu.memory_space<vmem>>
    %dma_wait3A_221 = arith.constant 0 : i32
    %dma_wait3A_222 = arith.constant 0 : i32
    %dma_wait3A_223 = tpu.memref_slice %arg3[%dma_wait3A_221, %dma_wait3A_222] : memref<1000000x128xf32, #tpu.memory_space<hbm>> -> memref<1000000x128xf32, #tpu.memory_space<hbm>>
    tpu.wait_indirect_dma semaphore(%arg17 : memref<!tpu.dma_semaphore, #tpu.memory_space<semaphore_mem>>) src(%dma_wait3A_223 : memref<1000000x128xf32, #tpu.memory_space<hbm>>) dst(%dma_wait3A_217 : memref<128x128xf32, #tpu.memory_space<vmem>>)
    %add3A_224 = arith.constant 256 : i32
    %add3A_225 = arith.addi %mul3A_2, %add3A_224 : i32
    %dma_start3A_226 = arith.constant 2 : i32
    %dma_start3A_227 = arith.constant 0 : i32
    %dma_start3A_228 = arith.constant 0 : i32
    %dma_start3A_229 = tpu.memref_slice %arg11[%dma_start3A_226, %dma_start3A_227, %dma_start3A_228] : memref<3x128x128xf32, #tpu.memory_space<vmem>> -> memref<1x128x128xf32, #tpu.memory_space<vmem>>
    %dma_start3A_230 = tpu.memref_squeeze %dma_start3A_229 : memref<1x128x128xf32, #tpu.memory_space<vmem>> -> memref<128x128xf32, #tpu.memory_space<vmem>>
    %dma_start3A_231 = arith.constant 0 : i32
    %dma_start3A_232 = tpu.memref_slice %arg7[%add3A_225, %dma_start3A_231] : memref<16384x128xf32, #tpu.memory_space<hbm>> -> memref<128x128xf32, #tpu.memory_space<hbm>>
    %dma_start3A_233 = arith.constant 0 : i32
    %dma_start3A_234 = tpu.memref_slice %arg7[%add3A_225, %dma_start3A_233] : memref<16384x128xf32, #tpu.memory_space<hbm>> -> memref<128x128xf32, #tpu.memory_space<hbm>>
    %dma_start3A_235 = arith.constant 0 : i32
    %dma_start3A_236 = arith.constant 0 : i32
    %dma_start3A_237 = tpu.memref_slice %arg11[%dma_start3A_226, %dma_start3A_235, %dma_start3A_236] : memref<3x128x128xf32, #tpu.memory_space<vmem>> -> memref<1x128x128xf32, #tpu.memory_space<vmem>>
    %dma_start3A_238 = tpu.memref_squeeze %dma_start3A_237 : memref<1x128x128xf32, #tpu.memory_space<vmem>> -> memref<128x128xf32, #tpu.memory_space<vmem>>
    tpu.enqueue_dma source(%dma_start3A_238 : memref<128x128xf32, #tpu.memory_space<vmem>>) target(%dma_start3A_234 : memref<128x128xf32, #tpu.memory_space<hbm>>) target_semaphore(%arg23 : memref<!tpu.dma_semaphore, #tpu.memory_space<semaphore_mem>>)
    %dma_wait3A_239 = arith.constant 0 : i32
    %dma_wait3A_240 = arith.constant 0 : i32
    %dma_wait3A_241 = arith.constant 0 : i32
    %dma_wait3A_242 = tpu.memref_slice %arg10[%dma_wait3A_239, %dma_wait3A_240, %dma_wait3A_241] : memref<3x128x128xf32, #tpu.memory_space<vmem>> -> memref<1x128x128xf32, #tpu.memory_space<vmem>>
    %dma_wait3A_243 = tpu.memref_squeeze %dma_wait3A_242 : memref<1x128x128xf32, #tpu.memory_space<vmem>> -> memref<128x128xf32, #tpu.memory_space<vmem>>
    %dma_wait3A_244 = arith.constant 0 : i32
    %dma_wait3A_245 = tpu.memref_slice %arg6[%add3A_90, %dma_wait3A_244] : memref<16384x128xf32, #tpu.memory_space<hbm>> -> memref<128x128xf32, #tpu.memory_space<hbm>>
    %dma_wait3A_246 = arith.constant 0 : i32
    %dma_wait3A_247 = tpu.memref_slice %arg6[%add3A_90, %dma_wait3A_246] : memref<16384x128xf32, #tpu.memory_space<hbm>> -> memref<128x128xf32, #tpu.memory_space<hbm>>
    %dma_wait3A_248 = arith.constant 0 : i32
    %dma_wait3A_249 = arith.constant 0 : i32
    %dma_wait3A_250 = tpu.memref_slice %arg10[%dma_wait3A_239, %dma_wait3A_248, %dma_wait3A_249] : memref<3x128x128xf32, #tpu.memory_space<vmem>> -> memref<1x128x128xf32, #tpu.memory_space<vmem>>
    %dma_wait3A_251 = tpu.memref_squeeze %dma_wait3A_250 : memref<1x128x128xf32, #tpu.memory_space<vmem>> -> memref<128x128xf32, #tpu.memory_space<vmem>>
    tpu.wait_dma2 semaphore(%arg18 : memref<!tpu.dma_semaphore, #tpu.memory_space<semaphore_mem>>) src(%dma_wait3A_251 : memref<128x128xf32, #tpu.memory_space<vmem>>) dst(%dma_wait3A_247 : memref<128x128xf32, #tpu.memory_space<hbm>>)
    %dma_start3A_252 = arith.constant 3 : i32
    %dma_start3A_253 = arith.constant 0 : i32
    %dma_start3A_254 = arith.constant 0 : i32
    %dma_start3A_255 = arith.constant 0 : i32
    %dma_start3A_256 = tpu.memref_slice %arg10[%dma_start3A_253, %dma_start3A_254, %dma_start3A_255] : memref<3x128x128xf32, #tpu.memory_space<vmem>> -> memref<1x128x128xf32, #tpu.memory_space<vmem>>
    %dma_start3A_257 = tpu.memref_squeeze %dma_start3A_256 : memref<1x128x128xf32, #tpu.memory_space<vmem>> -> memref<128x128xf32, #tpu.memory_space<vmem>>
    %dma_start3A_258 = arith.constant 0 : i32
    %dma_start3A_259 = tpu.memref_slice %arg8[%dma_start3A_252, %dma_start3A_258] : memref<4x128xi32, #tpu.memory_space<vmem>> -> memref<1x128xi32, #tpu.memory_space<vmem>>
    %dma_start3A_260 = tpu.memref_squeeze %dma_start3A_259 : memref<1x128xi32, #tpu.memory_space<vmem>> -> memref<128xi32, #tpu.memory_space<vmem>>
    %dma_start3A_261 = arith.constant 0 : i32
    %dma_start3A_262 = arith.constant 0 : i32
    %dma_start3A_263 = tpu.memref_slice %arg2[%dma_start3A_261, %dma_start3A_262] : memref<1000000x128xf32, #tpu.memory_space<hbm>> -> memref<1000000x128xf32, #tpu.memory_space<hbm>>
    tpu.enqueue_indirect_dma source(%dma_start3A_263 : memref<1000000x128xf32, #tpu.memory_space<hbm>>) target(%dma_start3A_257 : memref<128x128xf32, #tpu.memory_space<vmem>>) offsets(%dma_start3A_260 : memref<128xi32, #tpu.memory_space<vmem>>) semaphore(%arg12 : memref<!tpu.dma_semaphore, #tpu.memory_space<semaphore_mem>>)
    %dma_wait3A_264 = arith.constant 0 : i32
    %dma_wait3A_265 = arith.constant 0 : i32
    %dma_wait3A_266 = arith.constant 0 : i32
    %dma_wait3A_267 = tpu.memref_slice %arg11[%dma_wait3A_264, %dma_wait3A_265, %dma_wait3A_266] : memref<3x128x128xf32, #tpu.memory_space<vmem>> -> memref<1x128x128xf32, #tpu.memory_space<vmem>>
    %dma_wait3A_268 = tpu.memref_squeeze %dma_wait3A_267 : memref<1x128x128xf32, #tpu.memory_space<vmem>> -> memref<128x128xf32, #tpu.memory_space<vmem>>
    %dma_wait3A_269 = arith.constant 0 : i32
    %dma_wait3A_270 = tpu.memref_slice %arg7[%add3A_117, %dma_wait3A_269] : memref<16384x128xf32, #tpu.memory_space<hbm>> -> memref<128x128xf32, #tpu.memory_space<hbm>>
    %dma_wait3A_271 = arith.constant 0 : i32
    %dma_wait3A_272 = tpu.memref_slice %arg7[%add3A_117, %dma_wait3A_271] : memref<16384x128xf32, #tpu.memory_space<hbm>> -> memref<128x128xf32, #tpu.memory_space<hbm>>
    %dma_wait3A_273 = arith.constant 0 : i32
    %dma_wait3A_274 = arith.constant 0 : i32
    %dma_wait3A_275 = tpu.memref_slice %arg11[%dma_wait3A_264, %dma_wait3A_273, %dma_wait3A_274] : memref<3x128x128xf32, #tpu.memory_space<vmem>> -> memref<1x128x128xf32, #tpu.memory_space<vmem>>
    %dma_wait3A_276 = tpu.memref_squeeze %dma_wait3A_275 : memref<1x128x128xf32, #tpu.memory_space<vmem>> -> memref<128x128xf32, #tpu.memory_space<vmem>>
    tpu.wait_dma2 semaphore(%arg21 : memref<!tpu.dma_semaphore, #tpu.memory_space<semaphore_mem>>) src(%dma_wait3A_276 : memref<128x128xf32, #tpu.memory_space<vmem>>) dst(%dma_wait3A_272 : memref<128x128xf32, #tpu.memory_space<hbm>>)
    %dma_start3A_277 = arith.constant 3 : i32
    %dma_start3A_278 = arith.constant 0 : i32
    %dma_start3A_279 = arith.constant 0 : i32
    %dma_start3A_280 = arith.constant 0 : i32
    %dma_start3A_281 = tpu.memref_slice %arg11[%dma_start3A_278, %dma_start3A_279, %dma_start3A_280] : memref<3x128x128xf32, #tpu.memory_space<vmem>> -> memref<1x128x128xf32, #tpu.memory_space<vmem>>
    %dma_start3A_282 = tpu.memref_squeeze %dma_start3A_281 : memref<1x128x128xf32, #tpu.memory_space<vmem>> -> memref<128x128xf32, #tpu.memory_space<vmem>>
    %dma_start3A_283 = arith.constant 0 : i32
    %dma_start3A_284 = tpu.memref_slice %arg9[%dma_start3A_277, %dma_start3A_283] : memref<4x128xi32, #tpu.memory_space<vmem>> -> memref<1x128xi32, #tpu.memory_space<vmem>>
    %dma_start3A_285 = tpu.memref_squeeze %dma_start3A_284 : memref<1x128xi32, #tpu.memory_space<vmem>> -> memref<128xi32, #tpu.memory_space<vmem>>
    %dma_start3A_286 = arith.constant 0 : i32
    %dma_start3A_287 = arith.constant 0 : i32
    %dma_start3A_288 = tpu.memref_slice %arg3[%dma_start3A_286, %dma_start3A_287] : memref<1000000x128xf32, #tpu.memory_space<hbm>> -> memref<1000000x128xf32, #tpu.memory_space<hbm>>
    tpu.enqueue_indirect_dma source(%dma_start3A_288 : memref<1000000x128xf32, #tpu.memory_space<hbm>>) target(%dma_start3A_282 : memref<128x128xf32, #tpu.memory_space<vmem>>) offsets(%dma_start3A_285 : memref<128xi32, #tpu.memory_space<vmem>>) semaphore(%arg15 : memref<!tpu.dma_semaphore, #tpu.memory_space<semaphore_mem>>)
    %dma_wait3A_289 = arith.constant 3 : i32
    %dma_wait3A_290 = arith.constant 0 : i32
    %dma_wait3A_291 = arith.constant 0 : i32
    %dma_wait3A_292 = arith.constant 0 : i32
    %dma_wait3A_293 = tpu.memref_slice %arg10[%dma_wait3A_290, %dma_wait3A_291, %dma_wait3A_292] : memref<3x128x128xf32, #tpu.memory_space<vmem>> -> memref<1x128x128xf32, #tpu.memory_space<vmem>>
    %dma_wait3A_294 = tpu.memref_squeeze %dma_wait3A_293 : memref<1x128x128xf32, #tpu.memory_space<vmem>> -> memref<128x128xf32, #tpu.memory_space<vmem>>
    %dma_wait3A_295 = arith.constant 0 : i32
    %dma_wait3A_296 = tpu.memref_slice %arg8[%dma_wait3A_289, %dma_wait3A_295] : memref<4x128xi32, #tpu.memory_space<vmem>> -> memref<1x128xi32, #tpu.memory_space<vmem>>
    %dma_wait3A_297 = tpu.memref_squeeze %dma_wait3A_296 : memref<1x128xi32, #tpu.memory_space<vmem>> -> memref<128xi32, #tpu.memory_space<vmem>>
    %dma_wait3A_298 = arith.constant 0 : i32
    %dma_wait3A_299 = arith.constant 0 : i32
    %dma_wait3A_300 = tpu.memref_slice %arg2[%dma_wait3A_298, %dma_wait3A_299] : memref<1000000x128xf32, #tpu.memory_space<hbm>> -> memref<1000000x128xf32, #tpu.memory_space<hbm>>
    tpu.wait_indirect_dma semaphore(%arg12 : memref<!tpu.dma_semaphore, #tpu.memory_space<semaphore_mem>>) src(%dma_wait3A_300 : memref<1000000x128xf32, #tpu.memory_space<hbm>>) dst(%dma_wait3A_294 : memref<128x128xf32, #tpu.memory_space<vmem>>)
    %add3A_301 = arith.constant 384 : i32
    %add3A_302 = arith.addi %mul3A_2, %add3A_301 : i32
    %dma_start3A_303 = arith.constant 0 : i32
    %dma_start3A_304 = arith.constant 0 : i32
    %dma_start3A_305 = arith.constant 0 : i32
    %dma_start3A_306 = tpu.memref_slice %arg10[%dma_start3A_303, %dma_start3A_304, %dma_start3A_305] : memref<3x128x128xf32, #tpu.memory_space<vmem>> -> memref<1x128x128xf32, #tpu.memory_space<vmem>>
    %dma_start3A_307 = tpu.memref_squeeze %dma_start3A_306 : memref<1x128x128xf32, #tpu.memory_space<vmem>> -> memref<128x128xf32, #tpu.memory_space<vmem>>
    %dma_start3A_308 = arith.constant 0 : i32
    %dma_start3A_309 = tpu.memref_slice %arg6[%add3A_302, %dma_start3A_308] : memref<16384x128xf32, #tpu.memory_space<hbm>> -> memref<128x128xf32, #tpu.memory_space<hbm>>
    %dma_start3A_310 = arith.constant 0 : i32
    %dma_start3A_311 = tpu.memref_slice %arg6[%add3A_302, %dma_start3A_310] : memref<16384x128xf32, #tpu.memory_space<hbm>> -> memref<128x128xf32, #tpu.memory_space<hbm>>
    %dma_start3A_312 = arith.constant 0 : i32
    %dma_start3A_313 = arith.constant 0 : i32
    %dma_start3A_314 = tpu.memref_slice %arg10[%dma_start3A_303, %dma_start3A_312, %dma_start3A_313] : memref<3x128x128xf32, #tpu.memory_space<vmem>> -> memref<1x128x128xf32, #tpu.memory_space<vmem>>
    %dma_start3A_315 = tpu.memref_squeeze %dma_start3A_314 : memref<1x128x128xf32, #tpu.memory_space<vmem>> -> memref<128x128xf32, #tpu.memory_space<vmem>>
    tpu.enqueue_dma source(%dma_start3A_315 : memref<128x128xf32, #tpu.memory_space<vmem>>) target(%dma_start3A_311 : memref<128x128xf32, #tpu.memory_space<hbm>>) target_semaphore(%arg18 : memref<!tpu.dma_semaphore, #tpu.memory_space<semaphore_mem>>)
    %dma_wait3A_316 = arith.constant 3 : i32
    %dma_wait3A_317 = arith.constant 0 : i32
    %dma_wait3A_318 = arith.constant 0 : i32
    %dma_wait3A_319 = arith.constant 0 : i32
    %dma_wait3A_320 = tpu.memref_slice %arg11[%dma_wait3A_317, %dma_wait3A_318, %dma_wait3A_319] : memref<3x128x128xf32, #tpu.memory_space<vmem>> -> memref<1x128x128xf32, #tpu.memory_space<vmem>>
    %dma_wait3A_321 = tpu.memref_squeeze %dma_wait3A_320 : memref<1x128x128xf32, #tpu.memory_space<vmem>> -> memref<128x128xf32, #tpu.memory_space<vmem>>
    %dma_wait3A_322 = arith.constant 0 : i32
    %dma_wait3A_323 = tpu.memref_slice %arg9[%dma_wait3A_316, %dma_wait3A_322] : memref<4x128xi32, #tpu.memory_space<vmem>> -> memref<1x128xi32, #tpu.memory_space<vmem>>
    %dma_wait3A_324 = tpu.memref_squeeze %dma_wait3A_323 : memref<1x128xi32, #tpu.memory_space<vmem>> -> memref<128xi32, #tpu.memory_space<vmem>>
    %dma_wait3A_325 = arith.constant 0 : i32
    %dma_wait3A_326 = arith.constant 0 : i32
    %dma_wait3A_327 = tpu.memref_slice %arg3[%dma_wait3A_325, %dma_wait3A_326] : memref<1000000x128xf32, #tpu.memory_space<hbm>> -> memref<1000000x128xf32, #tpu.memory_space<hbm>>
    tpu.wait_indirect_dma semaphore(%arg15 : memref<!tpu.dma_semaphore, #tpu.memory_space<semaphore_mem>>) src(%dma_wait3A_327 : memref<1000000x128xf32, #tpu.memory_space<hbm>>) dst(%dma_wait3A_321 : memref<128x128xf32, #tpu.memory_space<vmem>>)
    %add3A_328 = arith.constant 384 : i32
    %add3A_329 = arith.addi %mul3A_2, %add3A_328 : i32
    %dma_start3A_330 = arith.constant 0 : i32
    %dma_start3A_331 = arith.constant 0 : i32
    %dma_start3A_332 = arith.constant 0 : i32
    %dma_start3A_333 = tpu.memref_slice %arg11[%dma_start3A_330, %dma_start3A_331, %dma_start3A_332] : memref<3x128x128xf32, #tpu.memory_space<vmem>> -> memref<1x128x128xf32, #tpu.memory_space<vmem>>
    %dma_start3A_334 = tpu.memref_squeeze %dma_start3A_333 : memref<1x128x128xf32, #tpu.memory_space<vmem>> -> memref<128x128xf32, #tpu.memory_space<vmem>>
    %dma_start3A_335 = arith.constant 0 : i32
    %dma_start3A_336 = tpu.memref_slice %arg7[%add3A_329, %dma_start3A_335] : memref<16384x128xf32, #tpu.memory_space<hbm>> -> memref<128x128xf32, #tpu.memory_space<hbm>>
    %dma_start3A_337 = arith.constant 0 : i32
    %dma_start3A_338 = tpu.memref_slice %arg7[%add3A_329, %dma_start3A_337] : memref<16384x128xf32, #tpu.memory_space<hbm>> -> memref<128x128xf32, #tpu.memory_space<hbm>>
    %dma_start3A_339 = arith.constant 0 : i32
    %dma_start3A_340 = arith.constant 0 : i32
    %dma_start3A_341 = tpu.memref_slice %arg11[%dma_start3A_330, %dma_start3A_339, %dma_start3A_340] : memref<3x128x128xf32, #tpu.memory_space<vmem>> -> memref<1x128x128xf32, #tpu.memory_space<vmem>>
    %dma_start3A_342 = tpu.memref_squeeze %dma_start3A_341 : memref<1x128x128xf32, #tpu.memory_space<vmem>> -> memref<128x128xf32, #tpu.memory_space<vmem>>
    tpu.enqueue_dma source(%dma_start3A_342 : memref<128x128xf32, #tpu.memory_space<vmem>>) target(%dma_start3A_338 : memref<128x128xf32, #tpu.memory_space<hbm>>) target_semaphore(%arg21 : memref<!tpu.dma_semaphore, #tpu.memory_space<semaphore_mem>>)
    %dma_wait3A_343 = arith.constant 1 : i32
    %dma_wait3A_344 = arith.constant 0 : i32
    %dma_wait3A_345 = arith.constant 0 : i32
    %dma_wait3A_346 = tpu.memref_slice %arg10[%dma_wait3A_343, %dma_wait3A_344, %dma_wait3A_345] : memref<3x128x128xf32, #tpu.memory_space<vmem>> -> memref<1x128x128xf32, #tpu.memory_space<vmem>>
    %dma_wait3A_347 = tpu.memref_squeeze %dma_wait3A_346 : memref<1x128x128xf32, #tpu.memory_space<vmem>> -> memref<128x128xf32, #tpu.memory_space<vmem>>
    %dma_wait3A_348 = arith.constant 0 : i32
    %dma_wait3A_349 = tpu.memref_slice %arg6[%add3A_144, %dma_wait3A_348] : memref<16384x128xf32, #tpu.memory_space<hbm>> -> memref<128x128xf32, #tpu.memory_space<hbm>>
    %dma_wait3A_350 = arith.constant 0 : i32
    %dma_wait3A_351 = tpu.memref_slice %arg6[%add3A_144, %dma_wait3A_350] : memref<16384x128xf32, #tpu.memory_space<hbm>> -> memref<128x128xf32, #tpu.memory_space<hbm>>
    %dma_wait3A_352 = arith.constant 0 : i32
    %dma_wait3A_353 = arith.constant 0 : i32
    %dma_wait3A_354 = tpu.memref_slice %arg10[%dma_wait3A_343, %dma_wait3A_352, %dma_wait3A_353] : memref<3x128x128xf32, #tpu.memory_space<vmem>> -> memref<1x128x128xf32, #tpu.memory_space<vmem>>
    %dma_wait3A_355 = tpu.memref_squeeze %dma_wait3A_354 : memref<1x128x128xf32, #tpu.memory_space<vmem>> -> memref<128x128xf32, #tpu.memory_space<vmem>>
    tpu.wait_dma2 semaphore(%arg19 : memref<!tpu.dma_semaphore, #tpu.memory_space<semaphore_mem>>) src(%dma_wait3A_355 : memref<128x128xf32, #tpu.memory_space<vmem>>) dst(%dma_wait3A_351 : memref<128x128xf32, #tpu.memory_space<hbm>>)
    %dma_wait3A_356 = arith.constant 1 : i32
    %dma_wait3A_357 = arith.constant 0 : i32
    %dma_wait3A_358 = arith.constant 0 : i32
    %dma_wait3A_359 = tpu.memref_slice %arg11[%dma_wait3A_356, %dma_wait3A_357, %dma_wait3A_358] : memref<3x128x128xf32, #tpu.memory_space<vmem>> -> memref<1x128x128xf32, #tpu.memory_space<vmem>>
    %dma_wait3A_360 = tpu.memref_squeeze %dma_wait3A_359 : memref<1x128x128xf32, #tpu.memory_space<vmem>> -> memref<128x128xf32, #tpu.memory_space<vmem>>
    %dma_wait3A_361 = arith.constant 0 : i32
    %dma_wait3A_362 = tpu.memref_slice %arg7[%add3A_171, %dma_wait3A_361] : memref<16384x128xf32, #tpu.memory_space<hbm>> -> memref<128x128xf32, #tpu.memory_space<hbm>>
    %dma_wait3A_363 = arith.constant 0 : i32
    %dma_wait3A_364 = tpu.memref_slice %arg7[%add3A_171, %dma_wait3A_363] : memref<16384x128xf32, #tpu.memory_space<hbm>> -> memref<128x128xf32, #tpu.memory_space<hbm>>
    %dma_wait3A_365 = arith.constant 0 : i32
    %dma_wait3A_366 = arith.constant 0 : i32
    %dma_wait3A_367 = tpu.memref_slice %arg11[%dma_wait3A_356, %dma_wait3A_365, %dma_wait3A_366] : memref<3x128x128xf32, #tpu.memory_space<vmem>> -> memref<1x128x128xf32, #tpu.memory_space<vmem>>
    %dma_wait3A_368 = tpu.memref_squeeze %dma_wait3A_367 : memref<1x128x128xf32, #tpu.memory_space<vmem>> -> memref<128x128xf32, #tpu.memory_space<vmem>>
    tpu.wait_dma2 semaphore(%arg22 : memref<!tpu.dma_semaphore, #tpu.memory_space<semaphore_mem>>) src(%dma_wait3A_368 : memref<128x128xf32, #tpu.memory_space<vmem>>) dst(%dma_wait3A_364 : memref<128x128xf32, #tpu.memory_space<hbm>>)
    %dma_wait3A_369 = arith.constant 2 : i32
    %dma_wait3A_370 = arith.constant 0 : i32
    %dma_wait3A_371 = arith.constant 0 : i32
    %dma_wait3A_372 = tpu.memref_slice %arg10[%dma_wait3A_369, %dma_wait3A_370, %dma_wait3A_371] : memref<3x128x128xf32, #tpu.memory_space<vmem>> -> memref<1x128x128xf32, #tpu.memory_space<vmem>>
    %dma_wait3A_373 = tpu.memref_squeeze %dma_wait3A_372 : memref<1x128x128xf32, #tpu.memory_space<vmem>> -> memref<128x128xf32, #tpu.memory_space<vmem>>
    %dma_wait3A_374 = arith.constant 0 : i32
    %dma_wait3A_375 = tpu.memref_slice %arg6[%add3A_198, %dma_wait3A_374] : memref<16384x128xf32, #tpu.memory_space<hbm>> -> memref<128x128xf32, #tpu.memory_space<hbm>>
    %dma_wait3A_376 = arith.constant 0 : i32
    %dma_wait3A_377 = tpu.memref_slice %arg6[%add3A_198, %dma_wait3A_376] : memref<16384x128xf32, #tpu.memory_space<hbm>> -> memref<128x128xf32, #tpu.memory_space<hbm>>
    %dma_wait3A_378 = arith.constant 0 : i32
    %dma_wait3A_379 = arith.constant 0 : i32
    %dma_wait3A_380 = tpu.memref_slice %arg10[%dma_wait3A_369, %dma_wait3A_378, %dma_wait3A_379] : memref<3x128x128xf32, #tpu.memory_space<vmem>> -> memref<1x128x128xf32, #tpu.memory_space<vmem>>
    %dma_wait3A_381 = tpu.memref_squeeze %dma_wait3A_380 : memref<1x128x128xf32, #tpu.memory_space<vmem>> -> memref<128x128xf32, #tpu.memory_space<vmem>>
    tpu.wait_dma2 semaphore(%arg20 : memref<!tpu.dma_semaphore, #tpu.memory_space<semaphore_mem>>) src(%dma_wait3A_381 : memref<128x128xf32, #tpu.memory_space<vmem>>) dst(%dma_wait3A_377 : memref<128x128xf32, #tpu.memory_space<hbm>>)
    %dma_wait3A_382 = arith.constant 2 : i32
    %dma_wait3A_383 = arith.constant 0 : i32
    %dma_wait3A_384 = arith.constant 0 : i32
    %dma_wait3A_385 = tpu.memref_slice %arg11[%dma_wait3A_382, %dma_wait3A_383, %dma_wait3A_384] : memref<3x128x128xf32, #tpu.memory_space<vmem>> -> memref<1x128x128xf32, #tpu.memory_space<vmem>>
    %dma_wait3A_386 = tpu.memref_squeeze %dma_wait3A_385 : memref<1x128x128xf32, #tpu.memory_space<vmem>> -> memref<128x128xf32, #tpu.memory_space<vmem>>
    %dma_wait3A_387 = arith.constant 0 : i32
    %dma_wait3A_388 = tpu.memref_slice %arg7[%add3A_225, %dma_wait3A_387] : memref<16384x128xf32, #tpu.memory_space<hbm>> -> memref<128x128xf32, #tpu.memory_space<hbm>>
    %dma_wait3A_389 = arith.constant 0 : i32
    %dma_wait3A_390 = tpu.memref_slice %arg7[%add3A_225, %dma_wait3A_389] : memref<16384x128xf32, #tpu.memory_space<hbm>> -> memref<128x128xf32, #tpu.memory_space<hbm>>
    %dma_wait3A_391 = arith.constant 0 : i32
    %dma_wait3A_392 = arith.constant 0 : i32
    %dma_wait3A_393 = tpu.memref_slice %arg11[%dma_wait3A_382, %dma_wait3A_391, %dma_wait3A_392] : memref<3x128x128xf32, #tpu.memory_space<vmem>> -> memref<1x128x128xf32, #tpu.memory_space<vmem>>
    %dma_wait3A_394 = tpu.memref_squeeze %dma_wait3A_393 : memref<1x128x128xf32, #tpu.memory_space<vmem>> -> memref<128x128xf32, #tpu.memory_space<vmem>>
    tpu.wait_dma2 semaphore(%arg23 : memref<!tpu.dma_semaphore, #tpu.memory_space<semaphore_mem>>) src(%dma_wait3A_394 : memref<128x128xf32, #tpu.memory_space<vmem>>) dst(%dma_wait3A_390 : memref<128x128xf32, #tpu.memory_space<hbm>>)
    %dma_wait3A_395 = arith.constant 0 : i32
    %dma_wait3A_396 = arith.constant 0 : i32
    %dma_wait3A_397 = arith.constant 0 : i32
    %dma_wait3A_398 = tpu.memref_slice %arg10[%dma_wait3A_395, %dma_wait3A_396, %dma_wait3A_397] : memref<3x128x128xf32, #tpu.memory_space<vmem>> -> memref<1x128x128xf32, #tpu.memory_space<vmem>>
    %dma_wait3A_399 = tpu.memref_squeeze %dma_wait3A_398 : memref<1x128x128xf32, #tpu.memory_space<vmem>> -> memref<128x128xf32, #tpu.memory_space<vmem>>
    %dma_wait3A_400 = arith.constant 0 : i32
    %dma_wait3A_401 = tpu.memref_slice %arg6[%add3A_302, %dma_wait3A_400] : memref<16384x128xf32, #tpu.memory_space<hbm>> -> memref<128x128xf32, #tpu.memory_space<hbm>>
    %dma_wait3A_402 = arith.constant 0 : i32
    %dma_wait3A_403 = tpu.memref_slice %arg6[%add3A_302, %dma_wait3A_402] : memref<16384x128xf32, #tpu.memory_space<hbm>> -> memref<128x128xf32, #tpu.memory_space<hbm>>
    %dma_wait3A_404 = arith.constant 0 : i32
    %dma_wait3A_405 = arith.constant 0 : i32
    %dma_wait3A_406 = tpu.memref_slice %arg10[%dma_wait3A_395, %dma_wait3A_404, %dma_wait3A_405] : memref<3x128x128xf32, #tpu.memory_space<vmem>> -> memref<1x128x128xf32, #tpu.memory_space<vmem>>
    %dma_wait3A_407 = tpu.memref_squeeze %dma_wait3A_406 : memref<1x128x128xf32, #tpu.memory_space<vmem>> -> memref<128x128xf32, #tpu.memory_space<vmem>>
    tpu.wait_dma2 semaphore(%arg18 : memref<!tpu.dma_semaphore, #tpu.memory_space<semaphore_mem>>) src(%dma_wait3A_407 : memref<128x128xf32, #tpu.memory_space<vmem>>) dst(%dma_wait3A_403 : memref<128x128xf32, #tpu.memory_space<hbm>>)
    %dma_wait3A_408 = arith.constant 0 : i32
    %dma_wait3A_409 = arith.constant 0 : i32
    %dma_wait3A_410 = arith.constant 0 : i32
    %dma_wait3A_411 = tpu.memref_slice %arg11[%dma_wait3A_408, %dma_wait3A_409, %dma_wait3A_410] : memref<3x128x128xf32, #tpu.memory_space<vmem>> -> memref<1x128x128xf32, #tpu.memory_space<vmem>>
    %dma_wait3A_412 = tpu.memref_squeeze %dma_wait3A_411 : memref<1x128x128xf32, #tpu.memory_space<vmem>> -> memref<128x128xf32, #tpu.memory_space<vmem>>
    %dma_wait3A_413 = arith.constant 0 : i32
    %dma_wait3A_414 = tpu.memref_slice %arg7[%add3A_329, %dma_wait3A_413] : memref<16384x128xf32, #tpu.memory_space<hbm>> -> memref<128x128xf32, #tpu.memory_space<hbm>>
    %dma_wait3A_415 = arith.constant 0 : i32
    %dma_wait3A_416 = tpu.memref_slice %arg7[%add3A_329, %dma_wait3A_415] : memref<16384x128xf32, #tpu.memory_space<hbm>> -> memref<128x128xf32, #tpu.memory_space<hbm>>
    %dma_wait3A_417 = arith.constant 0 : i32
    %dma_wait3A_418 = arith.constant 0 : i32
    %dma_wait3A_419 = tpu.memref_slice %arg11[%dma_wait3A_408, %dma_wait3A_417, %dma_wait3A_418] : memref<3x128x128xf32, #tpu.memory_space<vmem>> -> memref<1x128x128xf32, #tpu.memory_space<vmem>>
    %dma_wait3A_420 = tpu.memref_squeeze %dma_wait3A_419 : memref<1x128x128xf32, #tpu.memory_space<vmem>> -> memref<128x128xf32, #tpu.memory_space<vmem>>
    tpu.wait_dma2 semaphore(%arg21 : memref<!tpu.dma_semaphore, #tpu.memory_space<semaphore_mem>>) src(%dma_wait3A_420 : memref<128x128xf32, #tpu.memory_space<vmem>>) dst(%dma_wait3A_416 : memref<128x128xf32, #tpu.memory_space<hbm>>)
    return
  }
}

module attributes {stable_mosaic.version = 14 : i64} {
  func.func @_mlp_body(%arg0: i32, %arg1: memref<4096x128xf32, #tpu.memory_space<vmem>>, %arg2: memref<4096x128xf32, #tpu.memory_space<vmem>>, %arg3: memref<256x128xbf16, #tpu.memory_space<vmem>>, %arg4: memref<1x128xf32, #tpu.memory_space<vmem>>, %arg5: memref<128x64xbf16, #tpu.memory_space<vmem>>, %arg6: memref<1x64xf32, #tpu.memory_space<vmem>>, %arg7: memref<4096x128xf32, #tpu.memory_space<vmem>>, %arg8: memref<4096x32xf32, #tpu.memory_space<vmem>>, %arg9: memref<32x128xf32, #tpu.memory_space<vmem>>, %arg10: memref<32x128xf32, #tpu.memory_space<vmem>>) attributes {dimension_semantics = [#tpu.dimension_semantics<arbitrary>], iteration_bounds = array<i64: 4>, scalar_prefetch = 0 : i64, scratch_operands = 0 : i64, tpu.core_type = #tpu.core_type<tc>, window_params = [{transform_indices = @transform_0, window_bounds = array<i64: 4096, 128>}, {transform_indices = @transform_1, window_bounds = array<i64: 4096, 128>}, {pipeline_mode = #tpu.pipeline_mode<synchronous>, transform_indices = @transform_2, window_bounds = array<i64: 256, 128>}, {pipeline_mode = #tpu.pipeline_mode<synchronous>, transform_indices = @transform_3, window_bounds = array<i64: 1, 128>}, {pipeline_mode = #tpu.pipeline_mode<synchronous>, transform_indices = @transform_4, window_bounds = array<i64: 128, 64>}, {pipeline_mode = #tpu.pipeline_mode<synchronous>, transform_indices = @transform_5, window_bounds = array<i64: 1, 64>}, {pipeline_mode = #tpu.pipeline_mode<synchronous>, transform_indices = @transform_6, window_bounds = array<i64: 4096, 128>}, {pipeline_mode = #tpu.pipeline_mode<synchronous>, transform_indices = @transform_7, window_bounds = array<i64: 4096, 32>}, {pipeline_mode = #tpu.pipeline_mode<synchronous>, transform_indices = @transform_8, window_bounds = array<i64: 32, 128>}, {transform_indices = @transform_9, window_bounds = array<i64: 32, 128>}]} {
    %get3A = arith.constant 0 : index
    %get3A_0 = arith.constant 0 : index
    %get3A_1 = vector.load %arg1[%get3A, %get3A_0] : memref<4096x128xf32, #tpu.memory_space<vmem>>, vector<4096x128xf32>
    %get3A_2 = arith.constant 0 : index
    %get3A_3 = arith.constant 0 : index
    %get3A_4 = vector.load %arg2[%get3A_2, %get3A_3] : memref<4096x128xf32, #tpu.memory_space<vmem>>, vector<4096x128xf32>
    %concatenate3A = tpu.concatenate %get3A_1, %get3A_4 in 1 : vector<4096x128xf32>, vector<4096x128xf32> -> vector<4096x256xf32>
    %convert_element_type3A = arith.truncf %concatenate3A : vector<4096x256xf32> to vector<4096x256xbf16>
    %get3A_5 = arith.constant 0 : index
    %get3A_6 = arith.constant 0 : index
    %get3A_7 = vector.load %arg3[%get3A_5, %get3A_6] : memref<256x128xbf16, #tpu.memory_space<vmem>>, vector<256x128xbf16>
    %dot_general3A = arith.constant dense<0.000000e+00> : vector<4096x128xf32>
    %dot_general3A_8 = tpu.matmul %convert_element_type3A, %get3A_7, %dot_general3A {dimension_numbers = #tpu.dot_dimension_numbers<[1], [0], [0], [1], [0, 0, 1, 1], [], []>, transpose_lhs_hint = false} : vector<4096x256xbf16>, vector<256x128xbf16>, vector<4096x128xf32> -> vector<4096x128xf32>
    %get3A_9 = arith.constant 0 : index
    %get3A_10 = arith.constant 0 : index
    %get3A_11 = vector.load %arg4[%get3A_9, %get3A_10] : memref<1x128xf32, #tpu.memory_space<vmem>>, vector<1x128xf32>
    %add3A = vector.broadcast %get3A_11 : vector<1x128xf32> to vector<4096x128xf32>
    %add3A_12 = arith.addf %dot_general3A_8, %add3A : vector<4096x128xf32>
    %max3A = arith.constant 0.000000e+00 : f32
    %max3A_13 = vector.broadcast %max3A : f32 to vector<4096x128xf32>
    %max3A_14 = arith.maximumf %add3A_12, %max3A_13 : vector<4096x128xf32>
    %convert_element_type3A_15 = arith.truncf %max3A_14 : vector<4096x128xf32> to vector<4096x128xbf16>
    %get3A_16 = arith.constant 0 : index
    %get3A_17 = arith.constant 0 : index
    %get3A_18 = vector.load %arg5[%get3A_16, %get3A_17] : memref<128x64xbf16, #tpu.memory_space<vmem>>, vector<128x64xbf16>
    %dot_general3A_19 = arith.constant dense<0.000000e+00> : vector<4096x64xf32>
    %dot_general3A_20 = tpu.matmul %convert_element_type3A_15, %get3A_18, %dot_general3A_19 {dimension_numbers = #tpu.dot_dimension_numbers<[1], [0], [0], [1], [0, 0, 1, 1], [], []>, transpose_lhs_hint = false} : vector<4096x128xbf16>, vector<128x64xbf16>, vector<4096x64xf32> -> vector<4096x64xf32>
    %get3A_21 = arith.constant 0 : index
    %get3A_22 = arith.constant 0 : index
    %get3A_23 = vector.load %arg6[%get3A_21, %get3A_22] : memref<1x64xf32, #tpu.memory_space<vmem>>, vector<1x64xf32>
    %add3A_24 = vector.broadcast %get3A_23 : vector<1x64xf32> to vector<4096x64xf32>
    %add3A_25 = arith.addf %dot_general3A_20, %add3A_24 : vector<4096x64xf32>
    %slice3A = vector.extract_strided_slice %add3A_25 {offsets = [0, 0], sizes = [4096, 32], strides = [1, 1]} : vector<4096x64xf32> to vector<4096x32xf32>
    %slice3A_26 = vector.extract_strided_slice %add3A_25 {offsets = [0, 32], sizes = [4096, 32], strides = [1, 1]} : vector<4096x64xf32> to vector<4096x32xf32>
    %mul3A = arith.mulf %slice3A, %slice3A_26 : vector<4096x32xf32>
    %get3A_27 = arith.constant 0 : index
    %get3A_28 = arith.constant 0 : index
    %get3A_29 = vector.load %arg9[%get3A_27, %get3A_28] : memref<32x128xf32, #tpu.memory_space<vmem>>, vector<32x128xf32>
    %dot_general3A_30 = arith.constant dense<0.000000e+00> : vector<4096x128xf32>
    %dot_general3A_31 = tpu.matmul %mul3A, %get3A_29, %dot_general3A_30 {dimension_numbers = #tpu.dot_dimension_numbers<[1], [0], [0], [1], [0, 0, 1, 1], [], []>, transpose_lhs_hint = false} : vector<4096x32xf32>, vector<32x128xf32>, vector<4096x128xf32> -> vector<4096x128xf32>
    %get3A_32 = arith.constant 0 : index
    %get3A_33 = arith.constant 0 : index
    %get3A_34 = vector.load %arg7[%get3A_32, %get3A_33] : memref<4096x128xf32, #tpu.memory_space<vmem>>, vector<4096x128xf32>
    %mul3A_35 = arith.mulf %dot_general3A_31, %get3A_34 : vector<4096x128xf32>
    %get3A_36 = arith.constant 0 : index
    %get3A_37 = arith.constant 0 : index
    %get3A_38 = vector.load %arg8[%get3A_36, %get3A_37] : memref<4096x32xf32, #tpu.memory_space<vmem>>, vector<4096x32xf32>
    %dot_general3A_39 = arith.constant dense<0.000000e+00> : vector<32x128xf32>
    %dot_general3A_40 = tpu.matmul %get3A_38, %mul3A_35, %dot_general3A_39 {dimension_numbers = #tpu.dot_dimension_numbers<[0], [0], [1], [1], [0, 1, 1, 1], [], []>, transpose_lhs_hint = false} : vector<4096x32xf32>, vector<4096x128xf32>, vector<32x128xf32> -> vector<32x128xf32>
    %swap3A = arith.constant 0 : index
    %swap3A_41 = arith.constant 0 : index
    %swap3A_42 = vector.load %arg10[%swap3A, %swap3A_41] : memref<32x128xf32, #tpu.memory_space<vmem>>, vector<32x128xf32>
    tpu.vector_store %arg10[%swap3A, %swap3A_41], %dot_general3A_40 {strides = array<i32>} : memref<32x128xf32, #tpu.memory_space<vmem>>, vector<32x128xf32>,
    return
  }
  func.func @transform_0(%arg0: i32) -> (i32, i32) {
    %c0_i32 = arith.constant 0 : i32
    %c0_i32_0 = arith.constant 0 : i32
    return %arg0, %c0_i32 : i32, i32
  }
  func.func @transform_1(%arg0: i32) -> (i32, i32) {
    %c0_i32 = arith.constant 0 : i32
    %c0_i32_0 = arith.constant 0 : i32
    return %arg0, %c0_i32 : i32, i32
  }
  func.func @transform_2(%arg0: i32) -> (i32, i32) {
    %c0_i32 = arith.constant 0 : i32
    %c0_i32_0 = arith.constant 0 : i32
    %c0_i32_1 = arith.constant 0 : i32
    return %c0_i32, %c0_i32_0 : i32, i32
  }
  func.func @transform_3(%arg0: i32) -> (i32, i32) {
    %c0_i32 = arith.constant 0 : i32
    %c0_i32_0 = arith.constant 0 : i32
    %c0_i32_1 = arith.constant 0 : i32
    return %c0_i32, %c0_i32_0 : i32, i32
  }
  func.func @transform_4(%arg0: i32) -> (i32, i32) {
    %c0_i32 = arith.constant 0 : i32
    %c0_i32_0 = arith.constant 0 : i32
    %c0_i32_1 = arith.constant 0 : i32
    return %c0_i32, %c0_i32_0 : i32, i32
  }
  func.func @transform_5(%arg0: i32) -> (i32, i32) {
    %c0_i32 = arith.constant 0 : i32
    %c0_i32_0 = arith.constant 0 : i32
    %c0_i32_1 = arith.constant 0 : i32
    return %c0_i32, %c0_i32_0 : i32, i32
  }
  func.func @transform_6(%arg0: i32) -> (i32, i32) {
    %c0_i32 = arith.constant 0 : i32
    %c0_i32_0 = arith.constant 0 : i32
    %c0_i32_1 = arith.constant 0 : i32
    return %c0_i32, %c0_i32_0 : i32, i32
  }
  func.func @transform_7(%arg0: i32) -> (i32, i32) {
    %c0_i32 = arith.constant 0 : i32
    %c0_i32_0 = arith.constant 0 : i32
    %c0_i32_1 = arith.constant 0 : i32
    return %c0_i32, %c0_i32_0 : i32, i32
  }
  func.func @transform_8(%arg0: i32) -> (i32, i32) {
    %c0_i32 = arith.constant 0 : i32
    %c0_i32_0 = arith.constant 0 : i32
    %c0_i32_1 = arith.constant 0 : i32
    return %c0_i32, %c0_i32_0 : i32, i32
  }
  func.func @transform_9(%arg0: i32) -> (i32, i32) {
    %c0_i32 = arith.constant 0 : i32
    %c0_i32_0 = arith.constant 0 : i32
    return %arg0, %c0_i32 : i32, i32
  }
}

</mosaic_0001>

<sc_bundles>
// kernel: kernel.4.cloned.1.call-start
scs
__scs_entry_jumppad:
0x0: {  	(pc) =	sbr.rel $0x88, $3  }
0x1: {  	(tag) =	ssettag $0x0;
	lr =	simm.s32 $0x1  }
0x2: {  	[smem:$0x3F95] =	sst lr;
	_ =	strace $0xD0000000  }
0x3: {  	_ = 	snop  }
0x4: {  	_ = 	snop  }
0x5: {  	_ = 	snop  }
0x6: {  	_ = 	snop  }
0x7: {  	_ = 	snop  }
__scs_overlays_trampoline_lowered:
0x8: {  	[smem:$0x3FA4] =	sst s0  }
0x9: {  	[smem:$0x3FA5] =	sst s1  }
0xa: {  	[smem:$0x3FA6] =	sst s2  }
0xb: {  	[smem:$0x3FA7] =	sst s3  }
0xc: {  	[smem:$0x3FA8] =	sst s4  }
0xd: {  	[smem:$0x3FA9] =	sst s5  }
0xe: {  	[smem:$0x3FAA] =	sst s6  }
0xf: {  	[smem:$0x3FAB] =	sst s7  }
0x10: {  	[smem:$0x3FAC] =	sst s8  }
0x11: {  	[smem:$0x3FAD] =	sst s9;
	s0 =	simm.s32 @!p0 $0x0  }
0x12: {  	s1 =	sld [smem:$0x3F93];
	s0 =	simm.s32 @p0 $0x1  }
0x13: {  	[smem:$0x3FAE] =	sst s0;
	s0 =	simm.s32 @!p1 $0x0  }
0x14: {  	s2 =	sld [smem:$0x3F92];
	s0 =	simm.s32 @p1 $0x1  }
0x15: {  	[smem:$0x3FAF] =	sst s0;
	s0 =	simm.s32 @!p2 $0x0  }
0x16: {  	s3 =	sld [smem:$0x3FDB];
	s0 =	simm.s32 @p2 $0x1  }
0x17: {  	s4 =	simm.s32 $0x1BF5;
	[smem:$0x3FB1] =	sst s0  }
0x18: {  	s0 =	sld [smem:$0x3F94];
	_ =	swait.ge [sflag:s4], $0x0  }
0x19: {  	s7 =	sld [smem:$0x3F95]  }
0x1a: {  	s8 =	sadd.s32 $0xFFFFE003, lr  }
0x1b: {  	s9 =	sadd.s32 $0xFFFFFEF7, lr;
	s5 =	simm.s32 $0xFFFFFFFF;
	p2 =	slt.u32 s8, $0xFFFFF086  }
0x1c: {  	p1 =	slt.u32 s9, $0xF7A;
	s5 =	simm.s32 @!p2 $0x0  }
0x1d: {  	s5 =	simm.s32 @p1 $0x1;
	p0 =	seq.s32 s7, s2  }
0x1e: {  	s7 =	smul.u32 @!p0 $0xF7A, s2;
	p2 =	seq.s32 @!p0 s5, $0x0  }
0x1f: {  	s9 =	smul.u32 $0xF7A, s1;
	s8 =	simm.s32 @!p0 $0x1BF5;
	p2 =	por !p2, p0  }
0x20: {  	[sflag:s8] =	ssyncset.s32 @!p0 $0xFFFFF086;
	s6 =	sadd.s32 @!p0 s3, s7;
	s7 =	simm.s32 @!p0 $0x108  }
0x21: {  	s3 =	sadd.s32 s3, s9;
	s6 =	sadd.s32 @!p0 $0x88, s6;
	s7 =	simm.s32 @p2 $0x1082  }
0x22: {  	[simem:s7], [sflag:s8] =	dma.local @!p0 [hbm:s6], $0xF7A  }
0x23: {  	s9 =	sor.u32 $0xD0000000, s2;
	s6 =	simm.s32 $0x108;
	_ =	swait.ge @!p0 [sflag:s8], $0x0  }
0x24: {  	s3 =	sadd.s32 $0x88, s3;
	s6 =	simm.s32 @!p1 $0x1082;
	[sflag:s4] =	ssyncset.s32 $0xFFFFF086  }
0x25: {  	[simem:s6], [sflag:s4] =	dma.local [hbm:s3], $0xF7A  }
0x26: {  	[smem:$0x3F95] =	sst s1;
	(tag) =	ssettag s2;
	_ =	strace s9  }
0x27: {  	s1 =	sld [smem:$0x3FA5]  }
0x28: {  	s2 =	sld [smem:$0x3FA6]  }
0x29: {  	s4 =	sld [smem:$0x3FA8]  }
0x2a: {  	p0 =	seq.s32 s5, $0x0;
	s5 =	sld [smem:$0x3FA9]  }
0x2b: {  	s6 =	sld [smem:$0x3FAA]  }
0x2c: {  	s7 =	sld [smem:$0x3FAB]  }
0x2d: {  	s3 =	simm.s32 $0x108;
	s8 =	sld [smem:$0x3FAC]  }
0x2e: {  	s3 =	simm.s32 @!p0 $0x1082;
	s9 =	sld [smem:$0x3FAD]  }
0x2f: {  	lr =	sadd.s32 s0, s3;
	s0 =	sld [smem:$0x3FA4]  }
0x30: {  	s3 =	sld [smem:$0x3FA7]  }
0x31: {  	[smem:$0x3FB0] =	sst s10  }
0x32: {  	s10 =	sld [smem:$0x3FAE];
	_ =	sdelay $0x3  }
0x33: {  	p0 =	seq.s32 s10, $0x1;
	s10 =	sld [smem:$0x3FB0];
	_ =	sdelay $0x3  }
0x34: {  	[smem:$0x3FB0] =	sst s10  }
0x35: {  	s10 =	sld [smem:$0x3FAF];
	_ =	sdelay $0x3  }
0x36: {  	p1 =	seq.s32 s10, $0x1;
	s10 =	sld [smem:$0x3FB0];
	_ =	sdelay $0x3  }
0x37: {  	[smem:$0x3FB0] =	sst s10  }
0x38: {  	s10 =	sld [smem:$0x3FB1]  }
0x39: {  	_ = 	snop;
	(pc) =	sbr.ind lr, $3  }
0x3a: {  	_ = 	snop  }
0x3b: {  	_ = 	snop  }
0x3c: {  	p2 =	seq.s32 s10, $0x1;
	s10 =	sld [smem:$0x3FB0]  }
0x3d: {  	_ =	shalt  }
0x3e: {  	_ =	shalt  }
0x3f: {  	_ =	shalt  }
0x40: {  	_ =	shalt  }
0x41: {  	_ =	shalt  }
0x42: {  	_ =	shalt  }
0x43: {  	_ =	shalt  }
0x44: {  	_ =	shalt  }
0x45: {  	_ =	shalt  }
0x46: {  	_ =	shalt  }
0x47: {  	_ =	shalt  }
0x48: {  	_ =	shalt  }
0x49: {  	_ =	shalt  }
0x4a: {  	_ =	shalt  }
0x4b: {  	_ =	shalt  }
0x4c: {  	_ =	shalt  }
0x4d: {  	_ =	shalt  }
0x4e: {  	_ =	shalt  }
0x4f: {  	_ =	shalt  }
0x50: {  	_ =	shalt  }
0x51: {  	_ =	shalt  }
0x52: {  	_ =	shalt  }
0x53: {  	_ =	shalt  }
0x54: {  	_ =	shalt  }
0x55: {  	_ =	shalt  }
0x56: {  	_ =	shalt  }
0x57: {  	_ =	shalt  }
0x58: {  	_ =	shalt  }
0x59: {  	_ =	shalt  }
0x5a: {  	_ =	shalt  }
0x5b: {  	_ =	shalt  }
0x5c: {  	_ =	shalt  }
0x5d: {  	_ =	shalt  }
0x5e: {  	_ =	shalt  }
0x5f: {  	_ =	shalt  }
0x60: {  	_ =	shalt  }
0x61: {  	_ =	shalt  }
0x62: {  	_ =	shalt  }
0x63: {  	_ =	shalt  }
0x64: {  	_ =	shalt  }
0x65: {  	_ =	shalt  }
0x66: {  	_ =	shalt  }
0x67: {  	_ =	shalt  }
0x68: {  	_ =	shalt  }
0x69: {  	_ =	shalt  }
0x6a: {  	_ =	shalt  }
0x6b: {  	_ =	shalt  }
0x6c: {  	_ =	shalt  }
0x6d: {  	_ =	shalt  }
0x6e: {  	_ =	shalt  }
0x6f: {  	_ =	shalt  }
0x70: {  	_ =	shalt  }
0x71: {  	_ =	shalt  }
0x72: {  	_ =	shalt  }
0x73: {  	_ =	shalt  }
0x74: {  	_ =	shalt  }
0x75: {  	_ =	shalt  }
0x76: {  	_ =	shalt  }
0x77: {  	_ =	shalt  }
0x78: {  	_ =	shalt  }
0x79: {  	_ =	shalt  }
0x7a: {  	_ =	shalt  }
0x7b: {  	_ =	shalt  }
0x7c: {  	_ =	shalt  }
0x7d: {  	_ =	shalt  }
0x7e: {  	_ =	shalt  }
0x7f: {  	_ =	shalt  }
0x80: {  	_ =	shalt  }
0x81: {  	_ =	shalt  }
0x82: {  	_ =	shalt  }
0x83: {  	_ =	shalt  }
0x84: {  	_ =	shalt  }
0x85: {  	_ =	shalt  }
0x86: {  	_ =	shalt  }
0x87: {  	_ =	shalt  }
.Lfunc_end0:
.L_simem_size_0:
called_computation_lowered:
.L_overlay_start_0:
0x88: {  	s2 =	sld [smem:$0x3FD9]  }
0x89: {  	s3 =	sld [smem:$0x3FFE];
	_ =	sdelay $0x1  }
0x8a: {  	s1 =	srdreg.scid  }
0x8b: {  	s0 =	sand.u32 $0x1, s1  }
0x8c: {  	s17 =	sshll.u32 s0, $0xA;
	s2 =	sadd.s32 s3, s2  }
0x8d: {  	s2 =	sadd.s32 s2, s17  }
0x8e: {  	[smem:$0x3FBC] =	sst s2  }
0x8f: {  	_ = 	snop  }
0x90: {  	s2 =	sld [smem:$0x3FC9]  }
0x91: {  	s18 =	sld [smem:$0x3FC8]  }
0x92: {  	s4 =	sld [smem:$0x3FC7]  }
0x93: {  	s5 =	sld [smem:$0x3FC2];
	(tm) =	ssettm $0x1  }
0x94: {  	s6 =	sld [smem:$0x3FFB];
	_ =	sdelay $0x3  }
0x95: {  	_ =	strace s6  }
0x96: {  	s6 =	sld [smem:$0x3FFC];
	_ =	sdelay $0x3  }
0x97: {  	_ =	strace s6  }
0x98: {  	s6 =	sld [smem:$0x3FFD];
	_ =	sdelay $0x3  }
0x99: {  	_ =	strace s6  }
0x9a: {  	_ =	strace $0x8FFFFFFF  }
0x9b: {  	s19 =	sld [smem:$0x3FDB];
	_ =	sdelay $0x1  }
0x9c: {  	s7 =	simm.s32 $_scs_section_size  }
0x9d: {  	s8 =	simm.s32 $_size__tile_overlayer_lowered;
	s9 =	simm.s32 $_tile_overlayer_lowered  }
0x9e: {  	s22 =	simm.s32 $0x1BFF;
	s21 =	sshll.u32 s9, $0x1;
	s6 =	sadd.s32 s7, s19  }
0x9f: {  	s10 =	simm.s32 $0x0;
	s20 =	sshll.u32 s8, $0x1;
	s8 =	sadd.s32 s21, s6  }
0xa0: {  	[timem:s10], [sflag:s22] =	dma.local [hbm:s8], s20  }
0xa1: {  	_ =	swait.ge [sflag:s22], s20  }
0xa2: {  	s7 =	ssub.s32 $0x0, s20;
	[sflag:s22] =	ssyncset.done $0x0  }
0xa3: {  	[sflag:s22] =	ssyncadd.s32 s7;
	_ =	sdelay $0x1  }
0xa4: {  	s23 =	simm.s32 $0x1B8B  }
0xa5: {  	_ =	swait.ge [sflag:s23], $0x1  }
0xa6: {  	[sflag:s23] =	ssyncset.done $0x0  }
0xa7: {  	s25 =	simm.s32 $0x1B8E;
	s24 =	sld [smem:$0x3FFE];
	[sflag:s23] =	ssyncadd.s32 $0xFFFFFFFF  }
0xa8: {  	s26 =	simm.s32 $execute0_lowered;
	[smem:$0x3FD2] =	sst s25  }
0xa9: {  	s8 =	sshll.u32 s26, $0x1;
	_ =	strace $0x80000046;
	[dreg:$0x1] =	wrdreg $0xFFFFFFFF  }
0xaa: {  	s28 =	simm.s32 $_size_execute0_lowered;
	s6 =	sadd.s32 s6, s8;
	[dreg:$0x0] =	wrdreg $0x0  }
0xab: {  	s8 =	sshll.u32 s28, $0x1;
	[dreg:$0x2] =	wrdreg s6  }
0xac: {  	[dreg:$0x3] =	wrdreg s8  }
0xad: {  	[dreg:$0x4] =	wrdreg $0xC0  }
0xae: {  	_ =	task [dreg:s10], $0x5FFFF  }
0xaf: {  	[dreg:$0x1] =	wrdreg $0xFFFFFFFF  }
0xb0: {  	[dreg:$0x0] =	wrdreg $0x60  }
0xb1: {  	[dreg:$0x2] =	wrdreg s4  }
0xb2: {  	[dreg:$0x3] =	wrdreg s5  }
0xb3: {  	[dreg:$0x4] =	wrdreg s2  }
0xb4: {  	[dreg:$0x5] =	wrdreg s18  }
0xb5: {  	[dreg:$0x6] =	wrdreg s24  }
0xb6: {  	[dreg:$0x7] =	wrdreg $0x9  }
0xb7: {  	_ =	task.clear_ibuf [dreg:s10], $0x8FFFF;
	_ =	strace $0x90000046  }
0xb8: {  	s29 =	simm.s32 $0x9;
	_ =	strace $0x80000048  }
0xb9: {  	_ =	swait.ge [sflag:s29], $0x1  }
0xba: {  	[sflag:s29] =	ssyncadd.s32 $0xFFFFFFFF  }
0xbb: {  	_ =	strace $0x90000048  }
0xbc: {  	_ =	sfence  }
0xbd: {  	s30 =	sld [smem:$0x0];
	_ =	sdelay $0x2  }
0xbe: {  	s31 =	sshll.u32 s1, $0xD;
	s1 =	sshrl.u32 s1, $0x2  }
0xbf: {  	s3 =	sand.u32 $0x4000, s31;
	s1 =	sadd.s32 s1, s30  }
0xc0: {  	s0 =	sor.u32 s3, s0;
	s1 =	sshll.u32 s1, $0x11  }
0xc1: {  	s0 =	sor.u32 s1, s0  }
0xc2: {  	s0 =	sadd.s32 $0x8F2B, s0  }
0xc3: {  	[sflag:s0] =	ssyncadd.remote.s32 $0x1  }
0xc4: {  	_ =	sfence.sel $0xFFFF  }
0xc5: {  	[dreg:$0x0] =	wrdreg $0xFFFFFFFF;
	(pc) =	sbr.abs _section_cstart, $3  }
0xc6: {  	[dreg:$0x1] =	wrdreg $0xFFFFFFFF  }
0xc7: {  	_ =	task.clear_ibuf [dreg:s10], $0x2FFFF;
	_ =	strace $0x9FFFFFFF  }
0xc8: {  	(tm) =	ssettm $0x7FFFFFFF  }
0xc9: {  	_ =	shalt  }
tec
execute0_lowered:
.L_overlay_start_1:
0x0: {  	(tag) =	ssettag $0x1  }
0x1: {  	s4 =	rddreg [dreg:$0x0]  }
0x2: {  	s3 =	rddreg [dreg:$0x1]  }
0x3: {  	s0 =	rddreg [dreg:$0x2]  }
0x4: {  	s1 =	rddreg [dreg:$0x3]  }
0x5: {  	s5 =	rddreg [dreg:$0x4]  }
0x6: {  	s6 =	srdreg.scid;
	s2 =	simm.s32 $0x0;
	s10 =	stileid.u32  }
0x7: {  	s28 =	simm.s32 $0xD;
	s22 =	simm.s32 $0x4400;
	s29 =	simm.s32 $0x280  }
0x8: {  	s20 =	simm.s32 $0x10400;
	s30 =	simm.s32 $0x100;
	s31 =	simm.s32 $0x300  }
0x9: {  	s21 =	simm.s32 $0x6;
	p0 =	por $0x0, $0x0;
	s6 =	sand.u32 $0x1, s6  }
0xa: {  	[smem:$0x7FF] =	sst s2;
	s7 =	sshll.u32 s10, $0x7;
	s9 =	sadd.s32 $0x2000, s5  }
0xb: {  	s23 =	sshll.u32 s10, $0xE;
	s5 =	sadd.s32 $0x42000, s5;
	s8 =	sshll.u32 s6, $0x6  }
0xc: {  	_ =	strace $0x80000047;
	s24 =	sshll.u32 s6, $0xD;
	s6 =	ssub.s32 $0x2, s6  }
0xd: {  	s7 =	sor.u32 s8, s7;
	s26 =	sor.u32 s24, s23;
	s16 =	sshrl.u32 s6, $0x1  }
0xe: {  	s24 =	simm.s32 $0x5;
	s23 =	simm.s32 $0x3;
	s0 =	sadd.s32 s0, s7  }
0xf: {  	s25 =	sadd.s32 s1, s7;
	s7 =	sadd.s32 s9, s26;
	s8 =	sadd.s32 s5, s26  }
0x10: {  	s10 =	sor.u32 $0x800, s26;
	s13 =	sor.u32 $0x1000, s26;
	[dreg:$0x6] =	wrdreg s0  }
0x11: {  	s1 =	sor.u32 $0x1800, s26;
	s6 =	ssub.s32 s6, s16;
	[dreg:$0x7] =	wrdreg s25  }
0x12: {  	s26 =	simm.s32 $0x200;
	s16 =	simm.s32 $0x14400;
	[dreg:$0x8] =	wrdreg s7  }
0x13: {  	[dreg:$0x9] =	wrdreg s8;
	s11 =	sadd.s32 s9, s10;
	s12 =	sadd.s32 s5, s10  }
0x14: {  	s14 =	sadd.s32 s9, s13;
	s15 =	sadd.s32 s5, s13;
	s17 =	sadd.s32 s9, s1  }
0x15: {  	s18 =	sadd.s32 s5, s1;
	s19 =	smax.u32 s6, $0x1;
	[dreg:$0xa] =	wrdreg s11  }
0x16: {  	s9 =	simm.s32 $0x80;
	s8 =	simm.s32 $0x400;
	[dreg:$0xb] =	wrdreg s12  }
0x17: {  	s6 =	simm.s32 $0xC400;
	s10 =	simm.s32 $0x4;
	[dreg:$0xc] =	wrdreg s14  }
0x18: {  	s25 =	simm.s32 $0x2;
	[dreg:$0xd] =	wrdreg s15;
	p1 =	sne.s32 s19, $0x1  }
.Ltmp0:
0x19: {  	s5 =	simm.s32 $0x7;
	[dreg:$0xe] =	wrdreg s17;
	(pc) =	sbr.rel @!p1 .LBB2_3-.Ltmp0, $4  }
0x1a: {  	s7 =	simm.s32 $0xA;
	s13 =	simm.s32 $0x9;
	[dreg:$0xf] =	wrdreg s18  }
0x1b: {  	s17 =	simm.s32 $0x8400;
	s12 =	simm.s32 $0x1;
	s18 =	simm.s32 $0x180  }
0x1c: {  	s0 =	sadd.s32 $0xFFFFFFFF, s19;
	s19 =	simm.s32 $0x380;
	s15 =	simm.s32 $0x8  }
0x1d: {  	s14 =	simm.s32 $0xB;
	s11 =	simm.s32 $0xC;
	s1 =	rddreg [dreg:$0x6]  }
0x1e: {  	[tilespmem:s2], [sflag:$0xD] =	stream.linear.gather [hbm4b:s1+s2], $0x200, $0x38;
	[tilespmem:$0x18400] =	vst v63  }
0x1f: {  	_ =	swait.ge [sflag:s28], $0x200  }
0x20: {  	[sflag:s28] =	ssyncset.done $0x0  }
0x21: {  	s1 =	rddreg [dreg:$0x7];
	[sflag:s28] =	ssyncadd.s32 $0xFFFFFE00  }
0x22: {  	[tilespmem:s26], [sflag:$0xD] =	stream.linear.gather [hbm4b:s1+s2], $0x200, $0x38;
	[tilespmem:$0x18400] =	vst v63  }
0x23: {  	_ =	swait.ge [sflag:s28], $0x200  }
0x24: {  	[sflag:s28] =	ssyncset.done $0x0  }
0x25: {  	[sflag:s28] =	ssyncadd.s32 $0xFFFFFE00  }
0x26: {  	[tilespmem:s8], [sflag:$0x1] =	stream.indirect.gather [hbm4b:s4+s9], $0x80, s2, s9, $0xb8;
	[tilespmem:$0x18400] =	vst v63  }
0x27: {  	_ = 	snop  }
0x28: {  	[tilespmem:s6], [sflag:$0x4] =	stream.indirect.gather [hbm4b:s3+s9], $0x80, s26, s9, $0xb8;
	[tilespmem:$0x18400] =	vst v63  }
0x29: {  	_ = 	snop  }
0x2a: {  	[tilespmem:s22], [sflag:$0x2] =	stream.indirect.gather [hbm4b:s4+s9], $0x80, s9, s9, $0xb8;
	[tilespmem:$0x18400] =	vst v63  }
0x2b: {  	_ = 	snop  }
0x2c: {  	[tilespmem:s20], [sflag:$0x5] =	stream.indirect.gather [hbm4b:s3+s9], $0x80, s29, s9, $0xb8;
	[tilespmem:$0x18400] =	vst v63  }
0x2d: {  	_ = 	snop  }
0x2e: {  	[tilespmem:s17], [sflag:$0x3] =	stream.indirect.gather [hbm4b:s4+s9], $0x80, s30, s9, $0xb8;
	[tilespmem:$0x18400] =	vst v63  }
0x2f: {  	_ = 	snop  }
0x30: {  	[tilespmem:s16], [sflag:$0x6] =	stream.indirect.gather [hbm4b:s3+s9], $0x80, s31, s9, $0xb8;
	[tilespmem:$0x18400] =	vst v63  }
0x31: {  	_ =	swait.ge [sflag:s12], $0x4000  }
0x32: {  	[sflag:s12] =	ssyncset.done $0x0  }
0x33: {  	s1 =	rddreg [dreg:$0x8];
	[sflag:s12] =	ssyncadd.s32 $0xFFFFC000  }
0x34: {  	[hbm4b:s1+s2] =	stream.linear.scatter [tilespmem:s8], [sflag:$0x7], $0x4000, $0x38;
	[tilespmem:$0x18400] =	vst v63  }
0x35: {  	_ =	swait.ge [sflag:s10], $0x4000  }
0x36: {  	[sflag:s10] =	ssyncset.done $0x0  }
0x37: {  	s1 =	rddreg [dreg:$0x9];
	[sflag:s10] =	ssyncadd.s32 $0xFFFFC000  }
0x38: {  	[hbm4b:s1+s2] =	stream.linear.scatter [tilespmem:s6], [sflag:$0xA], $0x4000, $0x38;
	[tilespmem:$0x18400] =	vst v63  }
0x39: {  	_ =	swait.ge [sflag:s25], $0x4000  }
0x3a: {  	[sflag:s25] =	ssyncset.done $0x0  }
0x3b: {  	s1 =	rddreg [dreg:$0xa];
	[sflag:s25] =	ssyncadd.s32 $0xFFFFC000  }
0x3c: {  	[hbm4b:s1+s2] =	stream.linear.scatter [tilespmem:s22], [sflag:$0x8], $0x4000, $0x38;
	[tilespmem:$0x18400] =	vst v63  }
0x3d: {  	_ =	swait.ge [sflag:s24], $0x4000  }
0x3e: {  	[sflag:s24] =	ssyncset.done $0x0  }
0x3f: {  	s1 =	rddreg [dreg:$0xb];
	[sflag:s24] =	ssyncadd.s32 $0xFFFFC000  }
0x40: {  	[hbm4b:s1+s2] =	stream.linear.scatter [tilespmem:s20], [sflag:$0xB], $0x4000, $0x38;
	[tilespmem:$0x18400] =	vst v63  }
0x41: {  	_ =	swait.ge [sflag:s23], $0x4000  }
0x42: {  	[sflag:s23] =	ssyncset.done $0x0  }
0x43: {  	s1 =	rddreg [dreg:$0xc];
	[sflag:s23] =	ssyncadd.s32 $0xFFFFC000  }
0x44: {  	[hbm4b:s1+s2] =	stream.linear.scatter [tilespmem:s17], [sflag:$0x9], $0x4000, $0x38;
	[tilespmem:$0x18400] =	vst v63  }
0x45: {  	_ =	swait.ge [sflag:s21], $0x4000  }
0x46: {  	[sflag:s21] =	ssyncset.done $0x0  }
0x47: {  	s1 =	rddreg [dreg:$0xd];
	[sflag:s21] =	ssyncadd.s32 $0xFFFFC000  }
0x48: {  	[hbm4b:s1+s2] =	stream.linear.scatter [tilespmem:s16], [sflag:$0xC], $0x4000, $0x38;
	[tilespmem:$0x18400] =	vst v63  }
0x49: {  	_ =	swait.ge [sflag:s5], $0x4000  }
0x4a: {  	[sflag:s5] =	ssyncset.done $0x0  }
0x4b: {  	[sflag:s5] =	ssyncadd.s32 $0xFFFFC000  }
0x4c: {  	[tilespmem:s8], [sflag:$0x1] =	stream.indirect.gather [hbm4b:s4+s9], $0x80, s18, s9, $0xb8;
	[tilespmem:$0x18400] =	vst v63  }
0x4d: {  	_ =	swait.ge [sflag:s7], $0x4000  }
0x4e: {  	[sflag:s7] =	ssyncset.done $0x0  }
0x4f: {  	[sflag:s7] =	ssyncadd.s32 $0xFFFFC000  }
0x50: {  	[tilespmem:s6], [sflag:$0x4] =	stream.indirect.gather [hbm4b:s3+s9], $0x80, s19, s9, $0xb8;
	[tilespmem:$0x18400] =	vst v63  }
0x51: {  	_ =	swait.ge [sflag:s12], $0x4000  }
0x52: {  	[sflag:s12] =	ssyncset.done $0x0  }
0x53: {  	s1 =	rddreg [dreg:$0xe];
	[sflag:s12] =	ssyncadd.s32 $0xFFFFC000  }
0x54: {  	[hbm4b:s1+s2] =	stream.linear.scatter [tilespmem:s8], [sflag:$0x7], $0x4000, $0x38;
	[tilespmem:$0x18400] =	vst v63  }
0x55: {  	_ =	swait.ge [sflag:s10], $0x4000  }
0x56: {  	[sflag:s10] =	ssyncset.done $0x0  }
0x57: {  	s1 =	rddreg [dreg:$0xf];
	[sflag:s10] =	ssyncadd.s32 $0xFFFFC000  }
0x58: {  	[hbm4b:s1+s2] =	stream.linear.scatter [tilespmem:s6], [sflag:$0xA], $0x4000, $0x38;
	[tilespmem:$0x18400] =	vst v63  }
0x59: {  	_ =	swait.ge [sflag:s15], $0x4000  }
0x5a: {  	[sflag:s15] =	ssyncset.done $0x0  }
0x5b: {  	[sflag:s15] =	ssyncadd.s32 $0xFFFFC000  }
0x5c: {  	_ =	swait.ge [sflag:s14], $0x4000  }
0x5d: {  	[sflag:s14] =	ssyncset.done $0x0  }
0x5e: {  	[sflag:s14] =	ssyncadd.s32 $0xFFFFC000  }
0x5f: {  	_ =	swait.ge [sflag:s13], $0x4000  }
0x60: {  	[sflag:s13] =	ssyncset.done $0x0  }
0x61: {  	[sflag:s13] =	ssyncadd.s32 $0xFFFFC000  }
0x62: {  	_ =	swait.ge [sflag:s11], $0x4000  }
0x63: {  	[sflag:s11] =	ssyncset.done $0x0  }
0x64: {  	p1 =	sne.s32 s0, $0x1;
	[sflag:s11] =	ssyncadd.s32 $0xFFFFC000  }
.Ltmp1:
0x65: {  	_ =	swait.ge [sflag:s5], $0x4000;
	(pc) =	sbr.rel @!p1 .LBB2_3-.Ltmp1, $4  }
0x66: {  	[sflag:s5] =	ssyncset.done $0x0  }
0x67: {  	[sflag:s5] =	ssyncadd.s32 $0xFFFFC000  }
0x68: {  	s0 =	sadd.s32 $0xFFFFFFFF, s0;
	_ =	swait.ge [sflag:s7], $0x4000  }
0x69: {  	p0 =	por $0x1, $0x1;
	s1 =	rddreg [dreg:$0x6];
	[sflag:s7] =	ssyncset.done $0x0  }
.LBB2_2:
0x6a: {  	[sflag:s7] =	ssyncadd.s32 $0xFFFFC000  }
0x6b: {  	[tilespmem:s2], [sflag:$0xD] =	stream.linear.gather [hbm4b:s1+s2], $0x200, $0x38;
	[tilespmem:$0x18400] =	vst v63  }
0x6c: {  	_ =	swait.ge [sflag:s28], $0x200  }
0x6d: {  	[sflag:s28] =	ssyncset.done $0x0  }
0x6e: {  	s1 =	rddreg [dreg:$0x7];
	[sflag:s28] =	ssyncadd.s32 $0xFFFFFE00  }
0x6f: {  	[tilespmem:s26], [sflag:$0xD] =	stream.linear.gather [hbm4b:s1+s2], $0x200, $0x38;
	[tilespmem:$0x18400] =	vst v63  }
0x70: {  	_ =	swait.ge [sflag:s28], $0x200  }
0x71: {  	[sflag:s28] =	ssyncset.done $0x0  }
0x72: {  	[sflag:s28] =	ssyncadd.s32 $0xFFFFFE00  }
0x73: {  	[tilespmem:s8], [sflag:$0x1] =	stream.indirect.gather [hbm4b:s4+s9], $0x80, s2, s9, $0xb8;
	[tilespmem:$0x18400] =	vst v63  }
0x74: {  	_ = 	snop  }
0x75: {  	[tilespmem:s6], [sflag:$0x4] =	stream.indirect.gather [hbm4b:s3+s9], $0x80, s26, s9, $0xb8;
	[tilespmem:$0x18400] =	vst v63  }
0x76: {  	_ = 	snop  }
0x77: {  	[tilespmem:s22], [sflag:$0x2] =	stream.indirect.gather [hbm4b:s4+s9], $0x80, s9, s9, $0xb8;
	[tilespmem:$0x18400] =	vst v63  }
0x78: {  	_ = 	snop  }
0x79: {  	[tilespmem:s20], [sflag:$0x5] =	stream.indirect.gather [hbm4b:s3+s9], $0x80, s29, s9, $0xb8;
	[tilespmem:$0x18400] =	vst v63  }
0x7a: {  	_ = 	snop  }
0x7b: {  	[tilespmem:s17], [sflag:$0x3] =	stream.indirect.gather [hbm4b:s4+s9], $0x80, s30, s9, $0xb8;
	[tilespmem:$0x18400] =	vst v63  }
0x7c: {  	_ = 	snop  }
0x7d: {  	[tilespmem:s16], [sflag:$0x6] =	stream.indirect.gather [hbm4b:s3+s9], $0x80, s31, s9, $0xb8;
	[tilespmem:$0x18400] =	vst v63  }
0x7e: {  	_ =	swait.ge [sflag:s12], $0x4000  }
0x7f: {  	[sflag:s12] =	ssyncset.done $0x0  }
0x80: {  	s1 =	rddreg [dreg:$0x8];
	[sflag:s12] =	ssyncadd.s32 $0xFFFFC000  }
0x81: {  	[hbm4b:s1+s2] =	stream.linear.scatter [tilespmem:s8], [sflag:$0x7], $0x4000, $0x38;
	[tilespmem:$0x18400] =	vst v63  }
0x82: {  	_ =	swait.ge [sflag:s10], $0x4000  }
0x83: {  	[sflag:s10] =	ssyncset.done $0x0  }
0x84: {  	s1 =	rddreg [dreg:$0x9];
	[sflag:s10] =	ssyncadd.s32 $0xFFFFC000  }
0x85: {  	[hbm4b:s1+s2] =	stream.linear.scatter [tilespmem:s6], [sflag:$0xA], $0x4000, $0x38;
	[tilespmem:$0x18400] =	vst v63  }
0x86: {  	_ =	swait.ge [sflag:s25], $0x4000  }
0x87: {  	[sflag:s25] =	ssyncset.done $0x0  }
0x88: {  	s1 =	rddreg [dreg:$0xa];
	[sflag:s25] =	ssyncadd.s32 $0xFFFFC000  }
0x89: {  	[hbm4b:s1+s2] =	stream.linear.scatter [tilespmem:s22], [sflag:$0x8], $0x4000, $0x38;
	[tilespmem:$0x18400] =	vst v63  }
0x8a: {  	_ =	swait.ge [sflag:s24], $0x4000  }
0x8b: {  	[sflag:s24] =	ssyncset.done $0x0  }
0x8c: {  	s1 =	rddreg [dreg:$0xb];
	[sflag:s24] =	ssyncadd.s32 $0xFFFFC000  }
0x8d: {  	[hbm4b:s1+s2] =	stream.linear.scatter [tilespmem:s20], [sflag:$0xB], $0x4000, $0x38;
	[tilespmem:$0x18400] =	vst v63  }
0x8e: {  	_ =	swait.ge [sflag:s23], $0x4000  }
0x8f: {  	[sflag:s23] =	ssyncset.done $0x0  }
0x90: {  	s1 =	rddreg [dreg:$0xc];
	[sflag:s23] =	ssyncadd.s32 $0xFFFFC000  }
0x91: {  	[hbm4b:s1+s2] =	stream.linear.scatter [tilespmem:s17], [sflag:$0x9], $0x4000, $0x38;
	[tilespmem:$0x18400] =	vst v63  }
0x92: {  	_ =	swait.ge [sflag:s21], $0x4000  }
0x93: {  	[sflag:s21] =	ssyncset.done $0x0  }
0x94: {  	s1 =	rddreg [dreg:$0xd];
	[sflag:s21] =	ssyncadd.s32 $0xFFFFC000  }
0x95: {  	[hbm4b:s1+s2] =	stream.linear.scatter [tilespmem:s16], [sflag:$0xC], $0x4000, $0x38;
	[tilespmem:$0x18400] =	vst v63  }
0x96: {  	_ =	swait.ge [sflag:s5], $0x4000  }
0x97: {  	[sflag:s5] =	ssyncset.done $0x0  }
0x98: {  	[sflag:s5] =	ssyncadd.s32 $0xFFFFC000  }
0x99: {  	[tilespmem:s8], [sflag:$0x1] =	stream.indirect.gather [hbm4b:s4+s9], $0x80, s18, s9, $0xb8;
	[tilespmem:$0x18400] =	vst v63  }
0x9a: {  	_ =	swait.ge [sflag:s7], $0x4000  }
0x9b: {  	[sflag:s7] =	ssyncset.done $0x0  }
0x9c: {  	[sflag:s7] =	ssyncadd.s32 $0xFFFFC000  }
0x9d: {  	[tilespmem:s6], [sflag:$0x4] =	stream.indirect.gather [hbm4b:s3+s9], $0x80, s19, s9, $0xb8;
	[tilespmem:$0x18400] =	vst v63  }
0x9e: {  	_ =	swait.ge [sflag:s12], $0x4000  }
0x9f: {  	[sflag:s12] =	ssyncset.done $0x0  }
0xa0: {  	s1 =	rddreg [dreg:$0xe];
	[sflag:s12] =	ssyncadd.s32 $0xFFFFC000  }
0xa1: {  	[hbm4b:s1+s2] =	stream.linear.scatter [tilespmem:s8], [sflag:$0x7], $0x4000, $0x38;
	[tilespmem:$0x18400] =	vst v63  }
0xa2: {  	_ =	swait.ge [sflag:s10], $0x4000  }
0xa3: {  	[sflag:s10] =	ssyncset.done $0x0  }
0xa4: {  	s1 =	rddreg [dreg:$0xf];
	[sflag:s10] =	ssyncadd.s32 $0xFFFFC000  }
0xa5: {  	[hbm4b:s1+s2] =	stream.linear.scatter [tilespmem:s6], [sflag:$0xA], $0x4000, $0x38;
	[tilespmem:$0x18400] =	vst v63  }
0xa6: {  	_ =	swait.ge [sflag:s15], $0x4000  }
0xa7: {  	[sflag:s15] =	ssyncset.done $0x0  }
0xa8: {  	[sflag:s15] =	ssyncadd.s32 $0xFFFFC000  }
0xa9: {  	_ =	swait.ge [sflag:s14], $0x4000  }
0xaa: {  	[sflag:s14] =	ssyncset.done $0x0  }
0xab: {  	[sflag:s14] =	ssyncadd.s32 $0xFFFFC000  }
0xac: {  	_ =	swait.ge [sflag:s13], $0x4000  }
0xad: {  	[sflag:s13] =	ssyncset.done $0x0  }
0xae: {  	[sflag:s13] =	ssyncadd.s32 $0xFFFFC000  }
0xaf: {  	_ =	swait.ge [sflag:s11], $0x4000  }
0xb0: {  	[sflag:s11] =	ssyncset.done $0x0  }
0xb1: {  	p1 =	sne.s32 s0, $0x1;
	[sflag:s11] =	ssyncadd.s32 $0xFFFFC000  }
.Ltmp2:
0xb2: {  	_ =	swait.ge [sflag:s5], $0x4000;
	(pc) =	sbr.rel @p1 .LBB2_2-.Ltmp2, $4  }
0xb3: {  	[sflag:s5] =	ssyncset.done $0x0  }
0xb4: {  	[sflag:s5] =	ssyncadd.s32 $0xFFFFC000  }
0xb5: {  	_ =	swait.ge [sflag:s7], $0x4000  }
0xb6: {  	s0 =	sadd.s32 $0xFFFFFFFF, s0;
	s1 =	rddreg [dreg:$0x6];
	[sflag:s7] =	ssyncset.done $0x0  }
.LBB2_3:
0xb7: {  	[sflag:s7] =	ssyncadd.s32 @p0 $0xFFFFC000  }
0xb8: {  	[tilespmem:s2], [sflag:$0xD] =	stream.linear.gather [hbm4b:s1+s2], $0x200, $0x38;
	[tilespmem:$0x18400] =	vst v63  }
0xb9: {  	_ =	swait.ge [sflag:s28], $0x200  }
0xba: {  	[sflag:s28] =	ssyncset.done $0x0  }
0xbb: {  	s0 =	rddreg [dreg:$0x7];
	[sflag:s28] =	ssyncadd.s32 $0xFFFFFE00  }
0xbc: {  	[tilespmem:s26], [sflag:$0xD] =	stream.linear.gather [hbm4b:s0+s2], $0x200, $0x38;
	[tilespmem:$0x18400] =	vst v63  }
0xbd: {  	_ =	swait.ge [sflag:s28], $0x200  }
0xbe: {  	[sflag:s28] =	ssyncset.done $0x0  }
0xbf: {  	[sflag:s28] =	ssyncadd.s32 $0xFFFFFE00  }
0xc0: {  	[tilespmem:s8], [sflag:$0x1] =	stream.indirect.gather [hbm4b:s4+s9], $0x80, s2, s9, $0xb8;
	[tilespmem:$0x18400] =	vst v63  }
0xc1: {  	_ = 	snop  }
0xc2: {  	[tilespmem:s6], [sflag:$0x4] =	stream.indirect.gather [hbm4b:s3+s9], $0x80, s26, s9, $0xb8;
	[tilespmem:$0x18400] =	vst v63  }
0xc3: {  	_ = 	snop  }
0xc4: {  	[tilespmem:s22], [sflag:$0x2] =	stream.indirect.gather [hbm4b:s4+s9], $0x80, s9, s9, $0xb8;
	[tilespmem:$0x18400] =	vst v63  }
0xc5: {  	_ = 	snop  }
0xc6: {  	[tilespmem:s20], [sflag:$0x5] =	stream.indirect.gather [hbm4b:s3+s9], $0x80, s29, s9, $0xb8;
	[tilespmem:$0x18400] =	vst v63  }
0xc7: {  	_ = 	snop  }
0xc8: {  	[tilespmem:s17], [sflag:$0x3] =	stream.indirect.gather [hbm4b:s4+s9], $0x80, s30, s9, $0xb8;
	[tilespmem:$0x18400] =	vst v63  }
0xc9: {  	_ = 	snop  }
0xca: {  	[tilespmem:s16], [sflag:$0x6] =	stream.indirect.gather [hbm4b:s3+s9], $0x80, s31, s9, $0xb8;
	[tilespmem:$0x18400] =	vst v63  }
0xcb: {  	_ =	swait.ge [sflag:s12], $0x4000  }
0xcc: {  	[sflag:s12] =	ssyncset.done $0x0  }
0xcd: {  	s30 =	rddreg [dreg:$0x8];
	[sflag:s12] =	ssyncadd.s32 $0xFFFFC000  }
0xce: {  	[hbm4b:s30+s2] =	stream.linear.scatter [tilespmem:s8], [sflag:$0x7], $0x4000, $0x38;
	[tilespmem:$0x18400] =	vst v63  }
0xcf: {  	_ =	swait.ge [sflag:s10], $0x4000  }
0xd0: {  	[sflag:s10] =	ssyncset.done $0x0  }
0xd1: {  	s31 =	rddreg [dreg:$0x9];
	[sflag:s10] =	ssyncadd.s32 $0xFFFFC000  }
0xd2: {  	[hbm4b:s31+s2] =	stream.linear.scatter [tilespmem:s6], [sflag:$0xA], $0x4000, $0x38;
	[tilespmem:$0x18400] =	vst v63  }
0xd3: {  	_ =	swait.ge [sflag:s25], $0x4000  }
0xd4: {  	[sflag:s25] =	ssyncset.done $0x0  }
0xd5: {  	s1 =	rddreg [dreg:$0xa];
	[sflag:s25] =	ssyncadd.s32 $0xFFFFC000  }
0xd6: {  	[hbm4b:s1+s2] =	stream.linear.scatter [tilespmem:s22], [sflag:$0x8], $0x4000, $0x38;
	[tilespmem:$0x18400] =	vst v63  }
0xd7: {  	_ =	swait.ge [sflag:s24], $0x4000  }
0xd8: {  	[sflag:s24] =	ssyncset.done $0x0  }
0xd9: {  	s25 =	rddreg [dreg:$0xb];
	[sflag:s24] =	ssyncadd.s32 $0xFFFFC000  }
0xda: {  	[hbm4b:s25+s2] =	stream.linear.scatter [tilespmem:s20], [sflag:$0xB], $0x4000, $0x38;
	[tilespmem:$0x18400] =	vst v63  }
0xdb: {  	_ =	swait.ge [sflag:s23], $0x4000  }
0xdc: {  	[sflag:s23] =	ssyncset.done $0x0  }
0xdd: {  	s26 =	rddreg [dreg:$0xc];
	[sflag:s23] =	ssyncadd.s32 $0xFFFFC000  }
0xde: {  	[hbm4b:s26+s2] =	stream.linear.scatter [tilespmem:s17], [sflag:$0x9], $0x4000, $0x38;
	[tilespmem:$0x18400] =	vst v63  }
0xdf: {  	_ =	swait.ge [sflag:s21], $0x4000  }
0xe0: {  	[sflag:s21] =	ssyncset.done $0x0  }
0xe1: {  	s28 =	rddreg [dreg:$0xd];
	[sflag:s21] =	ssyncadd.s32 $0xFFFFC000  }
0xe2: {  	[hbm4b:s28+s2] =	stream.linear.scatter [tilespmem:s16], [sflag:$0xC], $0x4000, $0x38;
	[tilespmem:$0x18400] =	vst v63  }
0xe3: {  	_ =	swait.ge [sflag:s5], $0x4000  }
0xe4: {  	[sflag:s5] =	ssyncset.done $0x0  }
0xe5: {  	[sflag:s5] =	ssyncadd.s32 $0xFFFFC000  }
0xe6: {  	[tilespmem:s8], [sflag:$0x1] =	stream.indirect.gather [hbm4b:s4+s9], $0x80, s18, s9, $0xb8;
	[tilespmem:$0x18400] =	vst v63  }
0xe7: {  	_ =	swait.ge [sflag:s7], $0x4000  }
0xe8: {  	[sflag:s7] =	ssyncset.done $0x0  }
0xe9: {  	[sflag:s7] =	ssyncadd.s32 $0xFFFFC000  }
0xea: {  	[tilespmem:s6], [sflag:$0x4] =	stream.indirect.gather [hbm4b:s3+s9], $0x80, s19, s9, $0xb8;
	[tilespmem:$0x18400] =	vst v63  }
0xeb: {  	_ =	swait.ge [sflag:s12], $0x4000  }
0xec: {  	[sflag:s12] =	ssyncset.done $0x0  }
0xed: {  	s29 =	rddreg [dreg:$0xe];
	[sflag:s12] =	ssyncadd.s32 $0xFFFFC000  }
0xee: {  	[hbm4b:s29+s2] =	stream.linear.scatter [tilespmem:s8], [sflag:$0x7], $0x4000, $0x38;
	[tilespmem:$0x18400] =	vst v63  }
0xef: {  	_ =	swait.ge [sflag:s10], $0x4000  }
0xf0: {  	[sflag:s10] =	ssyncset.done $0x0  }
0xf1: {  	s30 =	rddreg [dreg:$0xf];
	[sflag:s10] =	ssyncadd.s32 $0xFFFFC000  }
0xf2: {  	[hbm4b:s30+s2] =	stream.linear.scatter [tilespmem:s6], [sflag:$0xA], $0x4000, $0x38;
	[tilespmem:$0x18400] =	vst v63  }
0xf3: {  	_ =	swait.ge [sflag:s15], $0x4000  }
0xf4: {  	[sflag:s15] =	ssyncset.done $0x0  }
0xf5: {  	[sflag:s15] =	ssyncadd.s32 $0xFFFFC000  }
0xf6: {  	_ =	swait.ge [sflag:s14], $0x4000  }
0xf7: {  	[sflag:s14] =	ssyncset.done $0x0  }
0xf8: {  	[sflag:s14] =	ssyncadd.s32 $0xFFFFC000  }
0xf9: {  	_ =	swait.ge [sflag:s13], $0x4000  }
0xfa: {  	[sflag:s13] =	ssyncset.done $0x0  }
0xfb: {  	[sflag:s13] =	ssyncadd.s32 $0xFFFFC000  }
0xfc: {  	_ =	swait.ge [sflag:s11], $0x4000  }
0xfd: {  	[sflag:s11] =	ssyncset.done $0x0  }
0xfe: {  	[sflag:s11] =	ssyncadd.s32 $0xFFFFC000  }
0xff: {  	_ =	swait.ge [sflag:s5], $0x4000  }
0x100: {  	[sflag:s5] =	ssyncset.done $0x0  }
0x101: {  	[sflag:s5] =	ssyncadd.s32 $0xFFFFC000  }
0x102: {  	_ =	swait.ge [sflag:s7], $0x4000  }
0x103: {  	[sflag:s7] =	ssyncset.done $0x0  }
0x104: {  	[sflag:s7] =	ssyncadd.s32 $0xFFFFC000  }
0x105: {  	_ =	sfence.sel $0x180000  }
0x106: {  	[bflag:$0x0] =	sbarrier.arrive $0xFFFF  }
0x107: {  	_ =	strace $0x90000047  }
0x108: {  	s31 =	stileid.u32;
	[bflag:$0x2] =	sbarrier.arrive $0xFFFF  }
0x109: {  	p0 =	sne.s32 s31, $0x0;
	s0 =	rddreg [dreg:$0x5]  }
0x10a: {  	s0 =	sadd.s32 @!p0 $0x100000, s0  }
0x10b: {  	[sflag:s0] =	ssyncadd.tile.s32 @!p0 $0x1;
	_ =	shalt  }
.Lfunc_end2:
_tile_overlayer_lowered:
.L_overlay_start_2:
0x10c: {  	(tag) =	ssettag $0x2  }
0x10d: {  	s0 =	rddreg [dreg:$0x0];
	s2 =	stileid.u32  }
0x10e: {  	s1 =	rddreg [dreg:$0x1];
	p0 =	sne.s32 s2, $0x0  }
0x10f: {  	s3 =	rddreg [dreg:$0x2];
	[bflag:$0x3] =	sbarrier.arrive $0xFFFF;
	s2 =	simm.s32 @!p0 $0x1C0D  }
0x110: {  	[timem:s3], [sflag:s2] =	dma.local @!p0 [hbm:s0], s1  }
0x111: {  	s0 =	simm.s32 @!p0 $0xD  }
0x112: {  	_ =	swait.ge @!p0 [sflag:s0], s1  }
0x113: {  	s1 =	ssub.s32 @!p0 $0x0, s1;
	[sflag:s0] =	ssyncset.done @!p0 $0x0  }
0x114: {  	[sflag:s0] =	ssyncadd.s32 @!p0 s1  }
0x115: {  	[bflag:$0x3] =	sbarrier.arrive $0xFFFF  }
0x116: {  	_ =	shalt  }

</sc_bundles>
